<compile_context>
chip_gen: v7x
topology: tpu7x:2x2x1
jax: 0.10.2.dev20260603
libtpu: 0.0.44.dev20260713+nightly
codegen_flags: <defaults>
</compile_context>

<pallas_src>
import functools

import jax
import jax.numpy as jnp
from jax import lax
from jax.experimental import pallas as pl
from jax.experimental.pallas import tpu as pltpu
from jax.experimental.pallas import tpu_sc as plsc

N = 10000
NP = 10240
E = 160000
D = 256
CLS = 64
NC, NS = 2, 16
CHUNK = 128
E_PAD = 163840
ROWS_T = NP // NS

_mesh = plsc.VectorSubcoreMesh(core_axis_name="c", subcore_axis_name="s")


def _make_deg_kernel():
    cpt = E_PAD // (NC * NS * CHUNK)

    @functools.partial(
        pl.kernel,
        out_type=jax.ShapeDtypeStruct((2 * NP, 128), jnp.float32),
        mesh=_mesh,
        scratch_types=[
            pltpu.VMEM_SHARED((NP, 128), jnp.float32),
            pltpu.VMEM((cpt, CHUNK), jnp.int32),
            pltpu.VMEM((CHUNK, 128), jnp.float32),
        ],
    )
    def deg_kernel(dst_hbm, zeros_hbm, ones_hbm, deg_out, acc, d_idx, ones_v):
        c = lax.axis_index("c")
        s = lax.axis_index("s")
        pltpu.sync_copy(zeros_hbm.at[pl.ds(s * ROWS_T, ROWS_T)],
                        acc.at[pl.ds(s * ROWS_T, ROWS_T)])
        pltpu.sync_copy(ones_hbm, ones_v)
        base = c * (E_PAD // (NC * CHUNK)) + s * cpt
        pltpu.sync_copy(dst_hbm.at[pl.ds(base, cpt)], d_idx)
        plsc.subcore_barrier()

        def body(j, carry):
            pltpu.sync_copy(ones_v, acc.at[d_idx.at[j]], add=True)
            return carry

        lax.fori_loop(0, cpt, body, 0)
        plsc.subcore_barrier()
        pltpu.sync_copy(acc.at[pl.ds(s * ROWS_T, ROWS_T)],
                        deg_out.at[pl.ds(c * NP + s * ROWS_T, ROWS_T)])

    return deg_kernel


_IDXG = 40


def _edge_pipeline(g_hbm, acc, src_hbm, dst_hbm, sbase, dbase,
                   s_idx, d_idx, rows_a, rows_b, sem_a, sem_b, cpt):

    def group(gi, carry):
        pltpu.sync_copy(src_hbm.at[pl.ds(sbase + gi * _IDXG, _IDXG)], s_idx)
        pltpu.sync_copy(dst_hbm.at[pl.ds(dbase + gi * _IDXG, _IDXG)], d_idx)
        pltpu.async_copy(g_hbm.at[s_idx.at[0]], rows_a, sem_a)

        def body(i, c2):
            e0 = 2 * i
            e1 = e0 + 1
            pltpu.async_copy(g_hbm.at[s_idx.at[e1]], rows_b, sem_b)
            pltpu.make_async_copy(g_hbm.at[s_idx.at[e0]], rows_a,
                                  sem_a).wait()
            pltpu.sync_copy(rows_a, acc.at[d_idx.at[e0]], add=True)

            @pl.when(e1 + 1 < _IDXG)
            def _():
                pltpu.async_copy(g_hbm.at[s_idx.at[e1 + 1]], rows_a, sem_a)

            pltpu.make_async_copy(g_hbm.at[s_idx.at[e1]], rows_b,
                                  sem_b).wait()
            pltpu.sync_copy(rows_b, acc.at[d_idx.at[e1]], add=True)
            return c2

        lax.fori_loop(0, _IDXG // 2, body, 0)
        return carry

    lax.fori_loop(0, cpt // _IDXG, group, 0)


def _make_agg_kernel(dh):
    cpt = E_PAD // (NS * CHUNK)

    @functools.partial(
        pl.kernel,
        out_type=jax.ShapeDtypeStruct((2 * NP, dh), jnp.float32),
        mesh=_mesh,
        scratch_types=[
            pltpu.VMEM_SHARED((NP, dh), jnp.float32),
            pltpu.VMEM((_IDXG, CHUNK), jnp.int32),
            pltpu.VMEM((_IDXG, CHUNK), jnp.int32),
            pltpu.VMEM((CHUNK, dh), jnp.float32),
            pltpu.VMEM((CHUNK, dh), jnp.float32),
            pltpu.SemaphoreType.DMA,
            pltpu.SemaphoreType.DMA,
        ],
    )
    def agg_kernel(g_hbm, src_hbm, dst_hbm, u_out, acc, s_idx, d_idx,
                   rows_a, rows_b, sem_a, sem_b):
        c = lax.axis_index("c")
        s = lax.axis_index("s")
        pltpu.sync_copy(g_hbm.at[pl.ds(c * NP + s * ROWS_T, ROWS_T)],
                        acc.at[pl.ds(s * ROWS_T, ROWS_T)])
        plsc.subcore_barrier()
        _edge_pipeline(g_hbm, acc, src_hbm, dst_hbm,
                       c * (cpt * NS) + s * cpt, s * cpt,
                       s_idx, d_idx, rows_a, rows_b, sem_a, sem_b, cpt)
        plsc.subcore_barrier()
        pltpu.sync_copy(acc.at[pl.ds(s * ROWS_T, ROWS_T)],
                        u_out.at[pl.ds(c * NP + s * ROWS_T, ROWS_T)])

    return agg_kernel


def _make_agg3_kernel():
    cpt = E_PAD // (NC * NS * CHUNK)

    @functools.partial(
        pl.kernel,
        out_type=jax.ShapeDtypeStruct((2 * NP, 128), jnp.float32),
        mesh=_mesh,
        scratch_types=[
            pltpu.VMEM_SHARED((NP, 128), jnp.float32),
            pltpu.VMEM((_IDXG, CHUNK), jnp.int32),
            pltpu.VMEM((_IDXG, CHUNK), jnp.int32),
            pltpu.VMEM((CHUNK, 128), jnp.float32),
            pltpu.VMEM((CHUNK, 128), jnp.float32),
            pltpu.SemaphoreType.DMA,
            pltpu.SemaphoreType.DMA,
        ],
    )
    def agg3_kernel(g_hbm, zeros_hbm, src_hbm, dst_hbm, u_out,
                    acc, s_idx, d_idx, rows_a, rows_b, sem_a, sem_b):
        c = lax.axis_index("c")
        s = lax.axis_index("s")
        pltpu.sync_copy(zeros_hbm.at[pl.ds(s * ROWS_T, ROWS_T)],
                        acc.at[pl.ds(s * ROWS_T, ROWS_T)])
        base = c * (E_PAD // (NC * CHUNK)) + s * cpt
        plsc.subcore_barrier()
        _edge_pipeline(g_hbm, acc, src_hbm, dst_hbm, base, base,
                       s_idx, d_idx, rows_a, rows_b, sem_a, sem_b, cpt)
        plsc.subcore_barrier()
        pltpu.sync_copy(acc.at[pl.ds(s * ROWS_T, ROWS_T)],
                        u_out.at[pl.ds(c * NP + s * ROWS_T, ROWS_T)])

    return agg3_kernel


_deg_kernel = _make_deg_kernel()
_agg128 = _make_agg_kernel(128)
_agg3 = _make_agg3_kernel()



_BM = 640
_GRID = NP // _BM


def _elu(v):
    return jnp.where(v > 0, v, jnp.exp(jnp.minimum(v, 0.0)) - 1.0)


def _tc1_body(x_ref, w_ref, deg0_ref, deg1_ref, g_ref, dinv_ref):
    deg = deg0_ref[:, 0] + deg1_ref[:, 0] + 1.0
    dinv = lax.rsqrt(deg)[:, None]
    dinv_ref[...] = jnp.broadcast_to(dinv, dinv_ref.shape)
    h = jnp.dot(x_ref[...], w_ref[...], preferred_element_type=jnp.float32)
    g = h * dinv
    g_ref[0] = g[:, :128]
    g_ref[1] = g[:, 128:]


def _tc2_body(u_ref, dinv_ref, b_ref, w_ref, x1_ref, g_ref):
    dinv = dinv_ref[:, :1]
    u = jnp.concatenate([u_ref[0], u_ref[1]], axis=1)
    x1 = _elu(dinv * u + b_ref[...])
    x1_ref[...] = x1
    g = jnp.dot(x1, w_ref[...], preferred_element_type=jnp.float32) * dinv
    g_ref[0] = g[:, :128]
    g_ref[1] = g[:, 128:]


def _tc3_body(u_ref, dinv_ref, b_ref, x1_ref, w_ref, g_ref):
    dinv = dinv_ref[:, :1]
    u = jnp.concatenate([u_ref[0], u_ref[1]], axis=1)
    x2 = _elu(dinv * u + b_ref[...] + x1_ref[...])
    g = jnp.dot(x2, w_ref[...], preferred_element_type=jnp.float32) * dinv
    g_ref[...] = jnp.concatenate([g, jnp.zeros_like(g)], axis=1)


def _tc4_body(u_ref, g_ref, dinv_ref, b_ref, o_ref):
    u = u_ref[0, :, :CLS] + u_ref[1, :, :CLS] + g_ref[:, :CLS]
    o_ref[...] = dinv_ref[:, :1] * u + b_ref[...]


def _row_spec(cols):
    return pl.BlockSpec((_BM, cols), lambda i: (i, 0))


def _half_spec(cols):
    return pl.BlockSpec((2, _BM, cols), lambda i: (0, i, 0))


def _full_spec(shape):
    return pl.BlockSpec(shape, lambda i: tuple(0 for _ in shape))


_tc1 = pl.pallas_call(
    _tc1_body,
    grid=(_GRID,),
    in_specs=[_row_spec(D), _full_spec((D, D)), _row_spec(128),
              pl.BlockSpec((_BM, 128), lambda i: (_GRID + i, 0))],
    out_specs=[_half_spec(128), _row_spec(8)],
    out_shape=[jax.ShapeDtypeStruct((2, NP, 128), jnp.float32),
               jax.ShapeDtypeStruct((NP, 8), jnp.float32)],
)

_tc2 = pl.pallas_call(
    _tc2_body,
    grid=(_GRID,),
    in_specs=[_half_spec(128), _row_spec(8), _full_spec((1, D)),
              _full_spec((D, D))],
    out_specs=[_row_spec(D), _half_spec(128)],
    out_shape=[jax.ShapeDtypeStruct((NP, D), jnp.float32),
               jax.ShapeDtypeStruct((2, NP, 128), jnp.float32)],
)

_tc3 = pl.pallas_call(
    _tc3_body,
    grid=(_GRID,),
    in_specs=[_half_spec(128), _row_spec(8), _full_spec((1, D)),
              _row_spec(D), _full_spec((D, CLS))],
    out_specs=_row_spec(128),
    out_shape=jax.ShapeDtypeStruct((NP, 128), jnp.float32),
)

_tc4 = pl.pallas_call(
    _tc4_body,
    grid=(_GRID,),
    in_specs=[_half_spec(128), _row_spec(128), _row_spec(8),
              _full_spec((1, CLS))],
    out_specs=_row_spec(CLS),
    out_shape=jax.ShapeDtypeStruct((NP, CLS), jnp.float32),
)


@jax.jit
def kernel(x, edge_index, batch, W1, b1, W2, b2, W3, b3):
    del batch
    src = edge_index[0]
    dst = edge_index[1]
    pad = E_PAD - E
    srcp = jnp.concatenate([src, jnp.zeros((pad,), jnp.int32)])
    dstp = jnp.concatenate([dst, jnp.full((pad,), N, jnp.int32)])
    src2 = jnp.stack([srcp, srcp + NP]).reshape(2 * (E_PAD // CHUNK), CHUNK)
    dstm = dstp.reshape(E_PAD // CHUNK, CHUNK)
    xp = jnp.pad(x, ((0, NP - N), (0, 0)))

    degf = _deg_kernel(dstm, jnp.zeros((NP, 128), jnp.float32),
                       jnp.ones((CHUNK, 128), jnp.float32))
    g1, dinvb = _tc1(xp, W1, degf, degf)
    u1 = _agg128(g1.reshape(2 * NP, 128), src2, dstm)
    x1, g2 = _tc2(u1.reshape(2, NP, 128), dinvb, b1.reshape(1, D), W2)
    u2 = _agg128(g2.reshape(2 * NP, 128), src2, dstm)
    g3 = _tc3(u2.reshape(2, NP, 128), dinvb, b2.reshape(1, D), x1, W3)
    u3 = _agg3(g3, jnp.zeros((NP, 128), jnp.float32),
               srcp.reshape(E_PAD // CHUNK, CHUNK), dstm)
    out = _tc4(u3.reshape(2, NP, 128), g3, dinvb, b3.reshape(1, CLS))
    return out[:N]

# --- scband reference (transcript-rebuilt; emitter-appended) ---
"""Pipeline reference for scband-base3-layer-gnn-41566693490924 (READ-ONLY COPY).

The authoritative reference and input builder live on the scoring server;
editing this copy changes nothing except your own understanding.
"""

import jax, jax.numpy as jnp
import numpy as np

N_NODES = 10000
N_EDGES = 160000
D_FEAT = 256
N_CLASSES = 64


def setup_inputs(seed: int = 0) -> dict:
    key = jax.random.key(seed)
    ks = jax.random.split(key, 10)
    x = jax.random.normal(ks[0], (N_NODES, D_FEAT), dtype=jnp.float32)
    edge_index = jax.random.randint(ks[1], (2, N_EDGES), 0, N_NODES, dtype=jnp.int32)
    batch = jnp.zeros((N_NODES,), dtype=jnp.int32)
    s1 = 1.0 / np.sqrt(D_FEAT)
    W1 = jax.random.normal(ks[2], (D_FEAT, D_FEAT), dtype=jnp.float32) * s1
    b1 = jnp.zeros((D_FEAT,), dtype=jnp.float32)
    W2 = jax.random.normal(ks[3], (D_FEAT, D_FEAT), dtype=jnp.float32) * s1
    b2 = jnp.zeros((D_FEAT,), dtype=jnp.float32)
    W3 = jax.random.normal(ks[4], (D_FEAT, N_CLASSES), dtype=jnp.float32) * s1
    b3 = jnp.zeros((N_CLASSES,), dtype=jnp.float32)
    return {"x": x, "edge_index": edge_index, "batch": batch,
            "W1": W1, "b1": b1, "W2": W2, "b2": b2, "W3": W3, "b3": b3}


def _gcn_conv(x, src, dst, W, b, n_nodes):
    # GCNConv: linear transform, add self-loops, symmetric-normalized scatter-add aggregation
    h = x @ W
    loop = jnp.arange(n_nodes, dtype=src.dtype)
    s = jnp.concatenate([src, loop])
    d = jnp.concatenate([dst, loop])
    ones = jnp.ones(s.shape[0], dtype=h.dtype)
    deg = jax.ops.segment_sum(ones, d, num_segments=n_nodes)
    dinv = jnp.where(deg > 0, 1.0 / jnp.sqrt(deg), 0.0)
    norm = dinv[s] * dinv[d]
    msg = h[s] * norm[:, None]
    out = jax.ops.segment_sum(msg, d, num_segments=n_nodes)
    return out + b


def reference(x, edge_index, batch, W1, b1, W2, b2, W3, b3):
    # task_type == 'node_classification'; dropout treated as identity (inference)
    src = edge_index[0]
    dst = edge_index[1]
    x1 = jax.nn.elu(_gcn_conv(x, src, dst, W1, b1, N_NODES))
    x2 = jax.nn.elu(_gcn_conv(x1, src, dst, W2, b2, N_NODES) + x1)
    x3 = _gcn_conv(x2, src, dst, W3, b3, N_NODES)
    return x3

if __name__ == "__main__":
    import jax
    _d = setup_inputs()
    print(jax.jit(kernel)(*tuple(_d.values())))

</pallas_src>

<mosaic_0001>
#map = affine_map<(d0, d1) -> (0, 0)>
module attributes {stable_mosaic.version = 14 : i64} {
  func.func @agg_kernel(%arg0: i32, %arg1: i32, %arg2: memref<20480x128xf32, #tpu.memory_space<hbm>>, %arg3: memref<2560x128xi32, #tpu.memory_space<hbm>>, %arg4: memref<1280x128xi32, #tpu.memory_space<hbm>>, %arg5: memref<20480x128xf32, #tpu.memory_space<hbm>>, %arg6: memref<10240x128xf32, #tpu.memory_space<vmem_shared>>, %arg7: memref<40x128xi32, #tpu.memory_space<vmem>>, %arg8: memref<40x128xi32, #tpu.memory_space<vmem>>, %arg9: memref<128x128xf32, #tpu.memory_space<vmem>>, %arg10: memref<128x128xf32, #tpu.memory_space<vmem>>, %arg11: memref<!tpu.dma_semaphore, #tpu.memory_space<semaphore_mem>>, %arg12: memref<!tpu.dma_semaphore, #tpu.memory_space<semaphore_mem>>) attributes {dimension_semantics = [#tpu.dimension_semantics<core_parallel>, #tpu.dimension_semantics<subcore_parallel>], iteration_bounds = array<i64: 2, 16>, scalar_prefetch = 0 : i64, scratch_operands = 7 : i64, tpu.core_type = #tpu.core_type<sc_vector_subcore>, window_params = [{transform_indices = #map}, {transform_indices = #map}, {transform_indices = #map}, {transform_indices = #map}]} {
    %mul3A = arith.constant 10240 : i32
    %mul3A_0 = arith.muli %arg0, %mul3A : i32
    %mul3A_1 = arith.constant 640 : i32
    %mul3A_2 = arith.muli %arg1, %mul3A_1 : i32
    %add3A = arith.addi %mul3A_0, %mul3A_2 : i32
    %mul3A_3 = arith.constant 640 : i32
    %mul3A_4 = arith.muli %arg1, %mul3A_3 : i32
    "tpu.region"() ({
      %run_scoped3A = tpu.sem_alloc : memref<!tpu.dma_semaphore, #tpu.memory_space<semaphore_mem>>
      %dma_start3A = arith.constant 0 : i32
      %dma_start3A_25 = tpu.memref_slice %arg6[%mul3A_4, %dma_start3A] : memref<10240x128xf32, #tpu.memory_space<vmem_shared>> -> memref<640x128xf32, #tpu.memory_space<vmem_shared>>
      %dma_start3A_26 = arith.constant 0 : i32
      %dma_start3A_27 = tpu.memref_slice %arg2[%add3A, %dma_start3A_26] : memref<20480x128xf32, #tpu.memory_space<hbm>> -> memref<640x128xf32, #tpu.memory_space<hbm>>
      tpu.enqueue_dma source(%dma_start3A_27 : memref<640x128xf32, #tpu.memory_space<hbm>>) target(%dma_start3A_25 : memref<640x128xf32, #tpu.memory_space<vmem_shared>>) target_semaphore(%run_scoped3A : memref<!tpu.dma_semaphore, #tpu.memory_space<semaphore_mem>>)
      %dma_wait3A = arith.constant 0 : i32
      %dma_wait3A_28 = tpu.memref_slice %arg6[%mul3A_4, %dma_wait3A] : memref<10240x128xf32, #tpu.memory_space<vmem_shared>> -> memref<640x128xf32, #tpu.memory_space<vmem_shared>>
      %dma_wait3A_29 = arith.constant 0 : i32
      %dma_wait3A_30 = tpu.memref_slice %arg2[%add3A, %dma_wait3A_29] : memref<20480x128xf32, #tpu.memory_space<hbm>> -> memref<640x128xf32, #tpu.memory_space<hbm>>
      tpu.wait_dma2 semaphore(%run_scoped3A : memref<!tpu.dma_semaphore, #tpu.memory_space<semaphore_mem>>) src(%dma_wait3A_30 : memref<640x128xf32, #tpu.memory_space<hbm>>) dst(%dma_wait3A_28 : memref<640x128xf32, #tpu.memory_space<vmem_shared>>)
      tpu.yield
    }) : () -> ()
    %barrier3A = arith.constant 0 : index
    tpu.barrier barrier_id(%barrier3A)
    %mul3A_5 = arith.constant 1280 : i32
    %mul3A_6 = arith.muli %arg0, %mul3A_5 : i32
    %mul3A_7 = arith.constant 80 : i32
    %mul3A_8 = arith.muli %arg1, %mul3A_7 : i32
    %add3A_9 = arith.addi %mul3A_6, %mul3A_8 : i32
    %mul3A_10 = arith.constant 80 : i32
    %mul3A_11 = arith.muli %arg1, %mul3A_10 : i32
    %scan3A = arith.constant 0 : i32
    %scan3A_12 = arith.constant 0 : i32
    %scan3A_13 = arith.constant 2 : i32
    %scan3A_14 = arith.addi %scan3A_12, %scan3A_13 : i32
    %scan3A_15 = arith.constant 1 : i32
    scf.for %scan3A_25 = %scan3A_12 to %scan3A_14 step %scan3A_15  : i32 {
      %mul3A_26 = arith.constant 40 : i32
      %mul3A_27 = arith.muli %scan3A_25, %mul3A_26 : i32
      %add3A_28 = arith.addi %add3A_9, %mul3A_27 : i32
      "tpu.region"() ({
        %run_scoped3A = tpu.sem_alloc : memref<!tpu.dma_semaphore, #tpu.memory_space<semaphore_mem>>
        %dma_start3A_44 = arith.constant 0 : i32
        %dma_start3A_45 = tpu.memref_slice %arg3[%add3A_28, %dma_start3A_44] : memref<2560x128xi32, #tpu.memory_space<hbm>> -> memref<40x128xi32, #tpu.memory_space<hbm>>
        %dma_start3A_46 = arith.constant 0 : i32
        %dma_start3A_47 = tpu.memref_slice %arg3[%add3A_28, %dma_start3A_46] : memref<2560x128xi32, #tpu.memory_space<hbm>> -> memref<40x128xi32, #tpu.memory_space<hbm>>
        tpu.enqueue_dma source(%dma_start3A_47 : memref<40x128xi32, #tpu.memory_space<hbm>>) target(%arg7 : memref<40x128xi32, #tpu.memory_space<vmem>>) target_semaphore(%run_scoped3A : memref<!tpu.dma_semaphore, #tpu.memory_space<semaphore_mem>>)
        %dma_wait3A = arith.constant 0 : i32
        %dma_wait3A_48 = tpu.memref_slice %arg3[%add3A_28, %dma_wait3A] : memref<2560x128xi32, #tpu.memory_space<hbm>> -> memref<40x128xi32, #tpu.memory_space<hbm>>
        %dma_wait3A_49 = arith.constant 0 : i32
        %dma_wait3A_50 = tpu.memref_slice %arg3[%add3A_28, %dma_wait3A_49] : memref<2560x128xi32, #tpu.memory_space<hbm>> -> memref<40x128xi32, #tpu.memory_space<hbm>>
        tpu.wait_dma2 semaphore(%run_scoped3A : memref<!tpu.dma_semaphore, #tpu.memory_space<semaphore_mem>>) src(%dma_wait3A_50 : memref<40x128xi32, #tpu.memory_space<hbm>>) dst(%arg7 : memref<40x128xi32, #tpu.memory_space<vmem>>)
        tpu.yield
      }) : () -> ()
      %mul3A_29 = arith.constant 40 : i32
      %mul3A_30 = arith.muli %scan3A_25, %mul3A_29 : i32
      %add3A_31 = arith.addi %mul3A_11, %mul3A_30 : i32
      "tpu.region"() ({
        %run_scoped3A = tpu.sem_alloc : memref<!tpu.dma_semaphore, #tpu.memory_space<semaphore_mem>>
        %dma_start3A_44 = arith.constant 0 : i32
        %dma_start3A_45 = tpu.memref_slice %arg4[%add3A_31, %dma_start3A_44] : memref<1280x128xi32, #tpu.memory_space<hbm>> -> memref<40x128xi32, #tpu.memory_space<hbm>>
        %dma_start3A_46 = arith.constant 0 : i32
        %dma_start3A_47 = tpu.memref_slice %arg4[%add3A_31, %dma_start3A_46] : memref<1280x128xi32, #tpu.memory_space<hbm>> -> memref<40x128xi32, #tpu.memory_space<hbm>>
        tpu.enqueue_dma source(%dma_start3A_47 : memref<40x128xi32, #tpu.memory_space<hbm>>) target(%arg8 : memref<40x128xi32, #tpu.memory_space<vmem>>) target_semaphore(%run_scoped3A : memref<!tpu.dma_semaphore, #tpu.memory_space<semaphore_mem>>)
        %dma_wait3A = arith.constant 0 : i32
        %dma_wait3A_48 = tpu.memref_slice %arg4[%add3A_31, %dma_wait3A] : memref<1280x128xi32, #tpu.memory_space<hbm>> -> memref<40x128xi32, #tpu.memory_space<hbm>>
        %dma_wait3A_49 = arith.constant 0 : i32
        %dma_wait3A_50 = tpu.memref_slice %arg4[%add3A_31, %dma_wait3A_49] : memref<1280x128xi32, #tpu.memory_space<hbm>> -> memref<40x128xi32, #tpu.memory_space<hbm>>
        tpu.wait_dma2 semaphore(%run_scoped3A : memref<!tpu.dma_semaphore, #tpu.memory_space<semaphore_mem>>) src(%dma_wait3A_50 : memref<40x128xi32, #tpu.memory_space<hbm>>) dst(%arg8 : memref<40x128xi32, #tpu.memory_space<vmem>>)
        tpu.yield
      }) : () -> ()
      %dma_start3A = arith.constant 0 : i32
      %dma_start3A_32 = arith.constant 0 : i32
      %dma_start3A_33 = tpu.memref_slice %arg7[%dma_start3A, %dma_start3A_32] : memref<40x128xi32, #tpu.memory_space<vmem>> -> memref<1x128xi32, #tpu.memory_space<vmem>>
      %dma_start3A_34 = tpu.memref_squeeze %dma_start3A_33 : memref<1x128xi32, #tpu.memory_space<vmem>> -> memref<128xi32, #tpu.memory_space<vmem>>
      %dma_start3A_35 = arith.constant 0 : i32
      %dma_start3A_36 = arith.constant 0 : i32
      %dma_start3A_37 = tpu.memref_slice %arg2[%dma_start3A_35, %dma_start3A_36] : memref<20480x128xf32, #tpu.memory_space<hbm>> -> memref<20480x128xf32, #tpu.memory_space<hbm>>
      tpu.enqueue_indirect_dma source(%dma_start3A_37 : memref<20480x128xf32, #tpu.memory_space<hbm>>) target(%arg9 : memref<128x128xf32, #tpu.memory_space<vmem>>) offsets(%dma_start3A_34 : memref<128xi32, #tpu.memory_space<vmem>>) semaphore(%arg11 : memref<!tpu.dma_semaphore, #tpu.memory_space<semaphore_mem>>)
      %scan3A_38 = arith.constant 0 : i32
      %scan3A_39 = arith.constant 0 : i32
      %scan3A_40 = arith.constant 20 : i32
      %scan3A_41 = arith.addi %scan3A_39, %scan3A_40 : i32
      %scan3A_42 = arith.constant 1 : i32
      scf.for %scan3A_44 = %scan3A_39 to %scan3A_41 step %scan3A_42  : i32 {
        %mul3A_45 = arith.constant 2 : i32
        %mul3A_46 = arith.muli %mul3A_45, %scan3A_44 : i32
        %add3A_47 = arith.constant 1 : i32
        %add3A_48 = arith.addi %mul3A_46, %add3A_47 : i32
        %dma_start3A_49 = arith.constant 0 : i32
        %dma_start3A_50 = tpu.memref_slice %arg7[%add3A_48, %dma_start3A_49] : memref<40x128xi32, #tpu.memory_space<vmem>> -> memref<1x128xi32, #tpu.memory_space<vmem>>
        %dma_start3A_51 = tpu.memref_squeeze %dma_start3A_50 : memref<1x128xi32, #tpu.memory_space<vmem>> -> memref<128xi32, #tpu.memory_space<vmem>>
        %dma_start3A_52 = arith.constant 0 : i32
        %dma_start3A_53 = arith.constant 0 : i32
        %dma_start3A_54 = tpu.memref_slice %arg2[%dma_start3A_52, %dma_start3A_53] : memref<20480x128xf32, #tpu.memory_space<hbm>> -> memref<20480x128xf32, #tpu.memory_space<hbm>>
        tpu.enqueue_indirect_dma source(%dma_start3A_54 : memref<20480x128xf32, #tpu.memory_space<hbm>>) target(%arg10 : memref<128x128xf32, #tpu.memory_space<vmem>>) offsets(%dma_start3A_51 : memref<128xi32, #tpu.memory_space<vmem>>) semaphore(%arg12 : memref<!tpu.dma_semaphore, #tpu.memory_space<semaphore_mem>>)
        %dma_wait3A = arith.constant 0 : i32
        %dma_wait3A_55 = tpu.memref_slice %arg7[%mul3A_46, %dma_wait3A] : memref<40x128xi32, #tpu.memory_space<vmem>> -> memref<1x128xi32, #tpu.memory_space<vmem>>
        %dma_wait3A_56 = tpu.memref_squeeze %dma_wait3A_55 : memref<1x128xi32, #tpu.memory_space<vmem>> -> memref<128xi32, #tpu.memory_space<vmem>>
        %dma_wait3A_57 = arith.constant 0 : i32
        %dma_wait3A_58 = arith.constant 0 : i32
        %dma_wait3A_59 = tpu.memref_slice %arg2[%dma_wait3A_57, %dma_wait3A_58] : memref<20480x128xf32, #tpu.memory_space<hbm>> -> memref<20480x128xf32, #tpu.memory_space<hbm>>
        tpu.wait_indirect_dma semaphore(%arg11 : memref<!tpu.dma_semaphore, #tpu.memory_space<semaphore_mem>>) src(%dma_wait3A_59 : memref<20480x128xf32, #tpu.memory_space<hbm>>) dst(%arg9 : memref<128x128xf32, #tpu.memory_space<vmem>>)
        "tpu.region"() ({
          %run_scoped3A = tpu.sem_alloc : memref<!tpu.dma_semaphore, #tpu.memory_space<semaphore_mem>>
          %dma_start3A_70 = arith.constant 0 : i32
          %dma_start3A_71 = tpu.memref_slice %arg8[%mul3A_46, %dma_start3A_70] : memref<40x128xi32, #tpu.memory_space<vmem>> -> memref<1x128xi32, #tpu.memory_space<vmem>>
          %dma_start3A_72 = tpu.memref_squeeze %dma_start3A_71 : memref<1x128xi32, #tpu.memory_space<vmem>> -> memref<128xi32, #tpu.memory_space<vmem>>
          %dma_start3A_73 = arith.constant 0 : i32
          %dma_start3A_74 = arith.constant 0 : i32
          %dma_start3A_75 = tpu.memref_slice %arg6[%dma_start3A_73, %dma_start3A_74] : memref<10240x128xf32, #tpu.memory_space<vmem_shared>> -> memref<10240x128xf32, #tpu.memory_space<vmem_shared>>
          tpu.enqueue_indirect_dma source(%arg9 : memref<128x128xf32, #tpu.memory_space<vmem>>) target(%dma_start3A_75 : memref<10240x128xf32, #tpu.memory_space<vmem_shared>>) offsets(%dma_start3A_72 : memref<128xi32, #tpu.memory_space<vmem>>) semaphore(%run_scoped3A : memref<!tpu.dma_semaphore, #tpu.memory_space<semaphore_mem>>) {add = true}
          %dma_wait3A_76 = arith.constant 0 : i32
          %dma_wait3A_77 = tpu.memref_slice %arg8[%mul3A_46, %dma_wait3A_76] : memref<40x128xi32, #tpu.memory_space<vmem>> -> memref<1x128xi32, #tpu.memory_space<vmem>>
          %dma_wait3A_78 = tpu.memref_squeeze %dma_wait3A_77 : memref<1x128xi32, #tpu.memory_space<vmem>> -> memref<128xi32, #tpu.memory_space<vmem>>
          %dma_wait3A_79 = arith.constant 0 : i32
          %dma_wait3A_80 = arith.constant 0 : i32
          %dma_wait3A_81 = tpu.memref_slice %arg6[%dma_wait3A_79, %dma_wait3A_80] : memref<10240x128xf32, #tpu.memory_space<vmem_shared>> -> memref<10240x128xf32, #tpu.memory_space<vmem_shared>>
          tpu.wait_indirect_dma semaphore(%run_scoped3A : memref<!tpu.dma_semaphore, #tpu.memory_space<semaphore_mem>>) src(%arg9 : memref<128x128xf32, #tpu.memory_space<vmem>>) dst(%dma_wait3A_81 : memref<10240x128xf32, #tpu.memory_space<vmem_shared>>)
          tpu.yield
        }) : () -> ()
        %add3A_60 = arith.constant 1 : i32
        %add3A_61 = arith.addi %add3A_48, %add3A_60 : i32
        %lt3A = arith.constant 40 : i32
        %lt3A_62 = arith.cmpi slt, %add3A_61, %lt3A : i32
        %convert_element_type3A = arith.extui %lt3A_62 : i1 to i32
        %cond3A = arith.constant 0 : i32
        %cond3A_63 = arith.cmpi ne, %convert_element_type3A, %cond3A : i32
        scf.if %cond3A_63 {
          %add3A_70 = arith.constant 1 : i32
          %add3A_71 = arith.addi %add3A_48, %add3A_70 : i32
          %dma_start3A_72 = arith.constant 0 : i32
          %dma_start3A_73 = tpu.memref_slice %arg7[%add3A_71, %dma_start3A_72] : memref<40x128xi32, #tpu.memory_space<vmem>> -> memref<1x128xi32, #tpu.memory_space<vmem>>
          %dma_start3A_74 = tpu.memref_squeeze %dma_start3A_73 : memref<1x128xi32, #tpu.memory_space<vmem>> -> memref<128xi32, #tpu.memory_space<vmem>>
          %dma_start3A_75 = arith.constant 0 : i32
          %dma_start3A_76 = arith.constant 0 : i32
          %dma_start3A_77 = tpu.memref_slice %arg2[%dma_start3A_75, %dma_start3A_76] : memref<20480x128xf32, #tpu.memory_space<hbm>> -> memref<20480x128xf32, #tpu.memory_space<hbm>>
          tpu.enqueue_indirect_dma source(%dma_start3A_77 : memref<20480x128xf32, #tpu.memory_space<hbm>>) target(%arg9 : memref<128x128xf32, #tpu.memory_space<vmem>>) offsets(%dma_start3A_74 : memref<128xi32, #tpu.memory_space<vmem>>) semaphore(%arg11 : memref<!tpu.dma_semaphore, #tpu.memory_space<semaphore_mem>>)
        } else {
        }
        %dma_wait3A_64 = arith.constant 0 : i32
        %dma_wait3A_65 = tpu.memref_slice %arg7[%add3A_48, %dma_wait3A_64] : memref<40x128xi32, #tpu.memory_space<vmem>> -> memref<1x128xi32, #tpu.memory_space<vmem>>
        %dma_wait3A_66 = tpu.memref_squeeze %dma_wait3A_65 : memref<1x128xi32, #tpu.memory_space<vmem>> -> memref<128xi32, #tpu.memory_space<vmem>>
        %dma_wait3A_67 = arith.constant 0 : i32
        %dma_wait3A_68 = arith.constant 0 : i32
        %dma_wait3A_69 = tpu.memref_slice %arg2[%dma_wait3A_67, %dma_wait3A_68] : memref<20480x128xf32, #tpu.memory_space<hbm>> -> memref<20480x128xf32, #tpu.memory_space<hbm>>
        tpu.wait_indirect_dma semaphore(%arg12 : memref<!tpu.dma_semaphore, #tpu.memory_space<semaphore_mem>>) src(%dma_wait3A_69 : memref<20480x128xf32, #tpu.memory_space<hbm>>) dst(%arg10 : memref<128x128xf32, #tpu.memory_space<vmem>>)
        "tpu.region"() ({
          %run_scoped3A = tpu.sem_alloc : memref<!tpu.dma_semaphore, #tpu.memory_space<semaphore_mem>>
          %dma_start3A_70 = arith.constant 0 : i32
          %dma_start3A_71 = tpu.memref_slice %arg8[%add3A_48, %dma_start3A_70] : memref<40x128xi32, #tpu.memory_space<vmem>> -> memref<1x128xi32, #tpu.memory_space<vmem>>
          %dma_start3A_72 = tpu.memref_squeeze %dma_start3A_71 : memref<1x128xi32, #tpu.memory_space<vmem>> -> memref<128xi32, #tpu.memory_space<vmem>>
          %dma_start3A_73 = arith.constant 0 : i32
          %dma_start3A_74 = arith.constant 0 : i32
          %dma_start3A_75 = tpu.memref_slice %arg6[%dma_start3A_73, %dma_start3A_74] : memref<10240x128xf32, #tpu.memory_space<vmem_shared>> -> memref<10240x128xf32, #tpu.memory_space<vmem_shared>>
          tpu.enqueue_indirect_dma source(%arg10 : memref<128x128xf32, #tpu.memory_space<vmem>>) target(%dma_start3A_75 : memref<10240x128xf32, #tpu.memory_space<vmem_shared>>) offsets(%dma_start3A_72 : memref<128xi32, #tpu.memory_space<vmem>>) semaphore(%run_scoped3A : memref<!tpu.dma_semaphore, #tpu.memory_space<semaphore_mem>>) {add = true}
          %dma_wait3A_76 = arith.constant 0 : i32
          %dma_wait3A_77 = tpu.memref_slice %arg8[%add3A_48, %dma_wait3A_76] : memref<40x128xi32, #tpu.memory_space<vmem>> -> memref<1x128xi32, #tpu.memory_space<vmem>>
          %dma_wait3A_78 = tpu.memref_squeeze %dma_wait3A_77 : memref<1x128xi32, #tpu.memory_space<vmem>> -> memref<128xi32, #tpu.memory_space<vmem>>
          %dma_wait3A_79 = arith.constant 0 : i32
          %dma_wait3A_80 = arith.constant 0 : i32
          %dma_wait3A_81 = tpu.memref_slice %arg6[%dma_wait3A_79, %dma_wait3A_80] : memref<10240x128xf32, #tpu.memory_space<vmem_shared>> -> memref<10240x128xf32, #tpu.memory_space<vmem_shared>>
          tpu.wait_indirect_dma semaphore(%run_scoped3A : memref<!tpu.dma_semaphore, #tpu.memory_space<semaphore_mem>>) src(%arg10 : memref<128x128xf32, #tpu.memory_space<vmem>>) dst(%dma_wait3A_81 : memref<10240x128xf32, #tpu.memory_space<vmem_shared>>)
          tpu.yield
        }) : () -> ()
      }
      %scan3A_43 = arith.constant 20 : i32
    }
    %scan3A_16 = arith.constant 2 : i32
    %barrier3A_17 = arith.constant 0 : index
    tpu.barrier barrier_id(%barrier3A_17)
    %mul3A_18 = arith.constant 640 : i32
    %mul3A_19 = arith.muli %arg1, %mul3A_18 : i32
    %mul3A_20 = arith.constant 10240 : i32
    %mul3A_21 = arith.muli %arg0, %mul3A_20 : i32
    %mul3A_22 = arith.constant 640 : i32
    %mul3A_23 = arith.muli %arg1, %mul3A_22 : i32
    %add3A_24 = arith.addi %mul3A_21, %mul3A_23 : i32
    "tpu.region"() ({
      %run_scoped3A = tpu.sem_alloc : memref<!tpu.dma_semaphore, #tpu.memory_space<semaphore_mem>>
      %dma_start3A = arith.constant 0 : i32
      %dma_start3A_25 = tpu.memref_slice %arg5[%add3A_24, %dma_start3A] : memref<20480x128xf32, #tpu.memory_space<hbm>> -> memref<640x128xf32, #tpu.memory_space<hbm>>
      %dma_start3A_26 = arith.constant 0 : i32
      %dma_start3A_27 = tpu.memref_slice %arg6[%mul3A_19, %dma_start3A_26] : memref<10240x128xf32, #tpu.memory_space<vmem_shared>> -> memref<640x128xf32, #tpu.memory_space<vmem_shared>>
      tpu.enqueue_dma source(%dma_start3A_27 : memref<640x128xf32, #tpu.memory_space<vmem_shared>>) target(%dma_start3A_25 : memref<640x128xf32, #tpu.memory_space<hbm>>) target_semaphore(%run_scoped3A : memref<!tpu.dma_semaphore, #tpu.memory_space<semaphore_mem>>)
      %dma_wait3A = arith.constant 0 : i32
      %dma_wait3A_28 = tpu.memref_slice %arg5[%add3A_24, %dma_wait3A] : memref<20480x128xf32, #tpu.memory_space<hbm>> -> memref<640x128xf32, #tpu.memory_space<hbm>>
      %dma_wait3A_29 = arith.constant 0 : i32
      %dma_wait3A_30 = tpu.memref_slice %arg6[%mul3A_19, %dma_wait3A_29] : memref<10240x128xf32, #tpu.memory_space<vmem_shared>> -> memref<640x128xf32, #tpu.memory_space<vmem_shared>>
      tpu.wait_dma2 semaphore(%run_scoped3A : memref<!tpu.dma_semaphore, #tpu.memory_space<semaphore_mem>>) src(%dma_wait3A_30 : memref<640x128xf32, #tpu.memory_space<vmem_shared>>) dst(%dma_wait3A_28 : memref<640x128xf32, #tpu.memory_space<hbm>>)
      tpu.yield
    }) : () -> ()
    return
  }
}

#map = affine_map<(d0, d1) -> (0, 0)>
module attributes {stable_mosaic.version = 14 : i64} {
  func.func @agg_kernel(%arg0: i32, %arg1: i32, %arg2: memref<20480x128xf32, #tpu.memory_space<hbm>>, %arg3: memref<2560x128xi32, #tpu.memory_space<hbm>>, %arg4: memref<1280x128xi32, #tpu.memory_space<hbm>>, %arg5: memref<20480x128xf32, #tpu.memory_space<hbm>>, %arg6: memref<10240x128xf32, #tpu.memory_space<vmem_shared>>, %arg7: memref<40x128xi32, #tpu.memory_space<vmem>>, %arg8: memref<40x128xi32, #tpu.memory_space<vmem>>, %arg9: memref<128x128xf32, #tpu.memory_space<vmem>>, %arg10: memref<128x128xf32, #tpu.memory_space<vmem>>, %arg11: memref<!tpu.dma_semaphore, #tpu.memory_space<semaphore_mem>>, %arg12: memref<!tpu.dma_semaphore, #tpu.memory_space<semaphore_mem>>) attributes {dimension_semantics = [#tpu.dimension_semantics<core_parallel>, #tpu.dimension_semantics<subcore_parallel>], iteration_bounds = array<i64: 2, 16>, scalar_prefetch = 0 : i64, scratch_operands = 7 : i64, tpu.core_type = #tpu.core_type<sc_vector_subcore>, window_params = [{transform_indices = #map}, {transform_indices = #map}, {transform_indices = #map}, {transform_indices = #map}]} {
    %mul3A = arith.constant 10240 : i32
    %mul3A_0 = arith.muli %arg0, %mul3A : i32
    %mul3A_1 = arith.constant 640 : i32
    %mul3A_2 = arith.muli %arg1, %mul3A_1 : i32
    %add3A = arith.addi %mul3A_0, %mul3A_2 : i32
    %mul3A_3 = arith.constant 640 : i32
    %mul3A_4 = arith.muli %arg1, %mul3A_3 : i32
    "tpu.region"() ({
      %run_scoped3A = tpu.sem_alloc : memref<!tpu.dma_semaphore, #tpu.memory_space<semaphore_mem>>
      %dma_start3A = arith.constant 0 : i32
      %dma_start3A_25 = tpu.memref_slice %arg6[%mul3A_4, %dma_start3A] : memref<10240x128xf32, #tpu.memory_space<vmem_shared>> -> memref<640x128xf32, #tpu.memory_space<vmem_shared>>
      %dma_start3A_26 = arith.constant 0 : i32
      %dma_start3A_27 = tpu.memref_slice %arg2[%add3A, %dma_start3A_26] : memref<20480x128xf32, #tpu.memory_space<hbm>> -> memref<640x128xf32, #tpu.memory_space<hbm>>
      tpu.enqueue_dma source(%dma_start3A_27 : memref<640x128xf32, #tpu.memory_space<hbm>>) target(%dma_start3A_25 : memref<640x128xf32, #tpu.memory_space<vmem_shared>>) target_semaphore(%run_scoped3A : memref<!tpu.dma_semaphore, #tpu.memory_space<semaphore_mem>>)
      %dma_wait3A = arith.constant 0 : i32
      %dma_wait3A_28 = tpu.memref_slice %arg6[%mul3A_4, %dma_wait3A] : memref<10240x128xf32, #tpu.memory_space<vmem_shared>> -> memref<640x128xf32, #tpu.memory_space<vmem_shared>>
      %dma_wait3A_29 = arith.constant 0 : i32
      %dma_wait3A_30 = tpu.memref_slice %arg2[%add3A, %dma_wait3A_29] : memref<20480x128xf32, #tpu.memory_space<hbm>> -> memref<640x128xf32, #tpu.memory_space<hbm>>
      tpu.wait_dma2 semaphore(%run_scoped3A : memref<!tpu.dma_semaphore, #tpu.memory_space<semaphore_mem>>) src(%dma_wait3A_30 : memref<640x128xf32, #tpu.memory_space<hbm>>) dst(%dma_wait3A_28 : memref<640x128xf32, #tpu.memory_space<vmem_shared>>)
      tpu.yield
    }) : () -> ()
    %barrier3A = arith.constant 0 : index
    tpu.barrier barrier_id(%barrier3A)
    %mul3A_5 = arith.constant 1280 : i32
    %mul3A_6 = arith.muli %arg0, %mul3A_5 : i32
    %mul3A_7 = arith.constant 80 : i32
    %mul3A_8 = arith.muli %arg1, %mul3A_7 : i32
    %add3A_9 = arith.addi %mul3A_6, %mul3A_8 : i32
    %mul3A_10 = arith.constant 80 : i32
    %mul3A_11 = arith.muli %arg1, %mul3A_10 : i32
    %scan3A = arith.constant 0 : i32
    %scan3A_12 = arith.constant 0 : i32
    %scan3A_13 = arith.constant 2 : i32
    %scan3A_14 = arith.addi %scan3A_12, %scan3A_13 : i32
    %scan3A_15 = arith.constant 1 : i32
    scf.for %scan3A_25 = %scan3A_12 to %scan3A_14 step %scan3A_15  : i32 {
      %mul3A_26 = arith.constant 40 : i32
      %mul3A_27 = arith.muli %scan3A_25, %mul3A_26 : i32
      %add3A_28 = arith.addi %add3A_9, %mul3A_27 : i32
      "tpu.region"() ({
        %run_scoped3A = tpu.sem_alloc : memref<!tpu.dma_semaphore, #tpu.memory_space<semaphore_mem>>
        %dma_start3A_44 = arith.constant 0 : i32
        %dma_start3A_45 = tpu.memref_slice %arg3[%add3A_28, %dma_start3A_44] : memref<2560x128xi32, #tpu.memory_space<hbm>> -> memref<40x128xi32, #tpu.memory_space<hbm>>
        %dma_start3A_46 = arith.constant 0 : i32
        %dma_start3A_47 = tpu.memref_slice %arg3[%add3A_28, %dma_start3A_46] : memref<2560x128xi32, #tpu.memory_space<hbm>> -> memref<40x128xi32, #tpu.memory_space<hbm>>
        tpu.enqueue_dma source(%dma_start3A_47 : memref<40x128xi32, #tpu.memory_space<hbm>>) target(%arg7 : memref<40x128xi32, #tpu.memory_space<vmem>>) target_semaphore(%run_scoped3A : memref<!tpu.dma_semaphore, #tpu.memory_space<semaphore_mem>>)
        %dma_wait3A = arith.constant 0 : i32
        %dma_wait3A_48 = tpu.memref_slice %arg3[%add3A_28, %dma_wait3A] : memref<2560x128xi32, #tpu.memory_space<hbm>> -> memref<40x128xi32, #tpu.memory_space<hbm>>
        %dma_wait3A_49 = arith.constant 0 : i32
        %dma_wait3A_50 = tpu.memref_slice %arg3[%add3A_28, %dma_wait3A_49] : memref<2560x128xi32, #tpu.memory_space<hbm>> -> memref<40x128xi32, #tpu.memory_space<hbm>>
        tpu.wait_dma2 semaphore(%run_scoped3A : memref<!tpu.dma_semaphore, #tpu.memory_space<semaphore_mem>>) src(%dma_wait3A_50 : memref<40x128xi32, #tpu.memory_space<hbm>>) dst(%arg7 : memref<40x128xi32, #tpu.memory_space<vmem>>)
        tpu.yield
      }) : () -> ()
      %mul3A_29 = arith.constant 40 : i32
      %mul3A_30 = arith.muli %scan3A_25, %mul3A_29 : i32
      %add3A_31 = arith.addi %mul3A_11, %mul3A_30 : i32
      "tpu.region"() ({
        %run_scoped3A = tpu.sem_alloc : memref<!tpu.dma_semaphore, #tpu.memory_space<semaphore_mem>>
        %dma_start3A_44 = arith.constant 0 : i32
        %dma_start3A_45 = tpu.memref_slice %arg4[%add3A_31, %dma_start3A_44] : memref<1280x128xi32, #tpu.memory_space<hbm>> -> memref<40x128xi32, #tpu.memory_space<hbm>>
        %dma_start3A_46 = arith.constant 0 : i32
        %dma_start3A_47 = tpu.memref_slice %arg4[%add3A_31, %dma_start3A_46] : memref<1280x128xi32, #tpu.memory_space<hbm>> -> memref<40x128xi32, #tpu.memory_space<hbm>>
        tpu.enqueue_dma source(%dma_start3A_47 : memref<40x128xi32, #tpu.memory_space<hbm>>) target(%arg8 : memref<40x128xi32, #tpu.memory_space<vmem>>) target_semaphore(%run_scoped3A : memref<!tpu.dma_semaphore, #tpu.memory_space<semaphore_mem>>)
        %dma_wait3A = arith.constant 0 : i32
        %dma_wait3A_48 = tpu.memref_slice %arg4[%add3A_31, %dma_wait3A] : memref<1280x128xi32, #tpu.memory_space<hbm>> -> memref<40x128xi32, #tpu.memory_space<hbm>>
        %dma_wait3A_49 = arith.constant 0 : i32
        %dma_wait3A_50 = tpu.memref_slice %arg4[%add3A_31, %dma_wait3A_49] : memref<1280x128xi32, #tpu.memory_space<hbm>> -> memref<40x128xi32, #tpu.memory_space<hbm>>
        tpu.wait_dma2 semaphore(%run_scoped3A : memref<!tpu.dma_semaphore, #tpu.memory_space<semaphore_mem>>) src(%dma_wait3A_50 : memref<40x128xi32, #tpu.memory_space<hbm>>) dst(%arg8 : memref<40x128xi32, #tpu.memory_space<vmem>>)
        tpu.yield
      }) : () -> ()
      %dma_start3A = arith.constant 0 : i32
      %dma_start3A_32 = arith.constant 0 : i32
      %dma_start3A_33 = tpu.memref_slice %arg7[%dma_start3A, %dma_start3A_32] : memref<40x128xi32, #tpu.memory_space<vmem>> -> memref<1x128xi32, #tpu.memory_space<vmem>>
      %dma_start3A_34 = tpu.memref_squeeze %dma_start3A_33 : memref<1x128xi32, #tpu.memory_space<vmem>> -> memref<128xi32, #tpu.memory_space<vmem>>
      %dma_start3A_35 = arith.constant 0 : i32
      %dma_start3A_36 = arith.constant 0 : i32
      %dma_start3A_37 = tpu.memref_slice %arg2[%dma_start3A_35, %dma_start3A_36] : memref<20480x128xf32, #tpu.memory_space<hbm>> -> memref<20480x128xf32, #tpu.memory_space<hbm>>
      tpu.enqueue_indirect_dma source(%dma_start3A_37 : memref<20480x128xf32, #tpu.memory_space<hbm>>) target(%arg9 : memref<128x128xf32, #tpu.memory_space<vmem>>) offsets(%dma_start3A_34 : memref<128xi32, #tpu.memory_space<vmem>>) semaphore(%arg11 : memref<!tpu.dma_semaphore, #tpu.memory_space<semaphore_mem>>)
      %scan3A_38 = arith.constant 0 : i32
      %scan3A_39 = arith.constant 0 : i32
      %scan3A_40 = arith.constant 20 : i32
      %scan3A_41 = arith.addi %scan3A_39, %scan3A_40 : i32
      %scan3A_42 = arith.constant 1 : i32
      scf.for %scan3A_44 = %scan3A_39 to %scan3A_41 step %scan3A_42  : i32 {
        %mul3A_45 = arith.constant 2 : i32
        %mul3A_46 = arith.muli %mul3A_45, %scan3A_44 : i32
        %add3A_47 = arith.constant 1 : i32
        %add3A_48 = arith.addi %mul3A_46, %add3A_47 : i32
        %dma_start3A_49 = arith.constant 0 : i32
        %dma_start3A_50 = tpu.memref_slice %arg7[%add3A_48, %dma_start3A_49] : memref<40x128xi32, #tpu.memory_space<vmem>> -> memref<1x128xi32, #tpu.memory_space<vmem>>
        %dma_start3A_51 = tpu.memref_squeeze %dma_start3A_50 : memref<1x128xi32, #tpu.memory_space<vmem>> -> memref<128xi32, #tpu.memory_space<vmem>>
        %dma_start3A_52 = arith.constant 0 : i32
        %dma_start3A_53 = arith.constant 0 : i32
        %dma_start3A_54 = tpu.memref_slice %arg2[%dma_start3A_52, %dma_start3A_53] : memref<20480x128xf32, #tpu.memory_space<hbm>> -> memref<20480x128xf32, #tpu.memory_space<hbm>>
        tpu.enqueue_indirect_dma source(%dma_start3A_54 : memref<20480x128xf32, #tpu.memory_space<hbm>>) target(%arg10 : memref<128x128xf32, #tpu.memory_space<vmem>>) offsets(%dma_start3A_51 : memref<128xi32, #tpu.memory_space<vmem>>) semaphore(%arg12 : memref<!tpu.dma_semaphore, #tpu.memory_space<semaphore_mem>>)
        %dma_wait3A = arith.constant 0 : i32
        %dma_wait3A_55 = tpu.memref_slice %arg7[%mul3A_46, %dma_wait3A] : memref<40x128xi32, #tpu.memory_space<vmem>> -> memref<1x128xi32, #tpu.memory_space<vmem>>
        %dma_wait3A_56 = tpu.memref_squeeze %dma_wait3A_55 : memref<1x128xi32, #tpu.memory_space<vmem>> -> memref<128xi32, #tpu.memory_space<vmem>>
        %dma_wait3A_57 = arith.constant 0 : i32
        %dma_wait3A_58 = arith.constant 0 : i32
        %dma_wait3A_59 = tpu.memref_slice %arg2[%dma_wait3A_57, %dma_wait3A_58] : memref<20480x128xf32, #tpu.memory_space<hbm>> -> memref<20480x128xf32, #tpu.memory_space<hbm>>
        tpu.wait_indirect_dma semaphore(%arg11 : memref<!tpu.dma_semaphore, #tpu.memory_space<semaphore_mem>>) src(%dma_wait3A_59 : memref<20480x128xf32, #tpu.memory_space<hbm>>) dst(%arg9 : memref<128x128xf32, #tpu.memory_space<vmem>>)
        "tpu.region"() ({
          %run_scoped3A = tpu.sem_alloc : memref<!tpu.dma_semaphore, #tpu.memory_space<semaphore_mem>>
          %dma_start3A_70 = arith.constant 0 : i32
          %dma_start3A_71 = tpu.memref_slice %arg8[%mul3A_46, %dma_start3A_70] : memref<40x128xi32, #tpu.memory_space<vmem>> -> memref<1x128xi32, #tpu.memory_space<vmem>>
          %dma_start3A_72 = tpu.memref_squeeze %dma_start3A_71 : memref<1x128xi32, #tpu.memory_space<vmem>> -> memref<128xi32, #tpu.memory_space<vmem>>
          %dma_start3A_73 = arith.constant 0 : i32
          %dma_start3A_74 = arith.constant 0 : i32
          %dma_start3A_75 = tpu.memref_slice %arg6[%dma_start3A_73, %dma_start3A_74] : memref<10240x128xf32, #tpu.memory_space<vmem_shared>> -> memref<10240x128xf32, #tpu.memory_space<vmem_shared>>
          tpu.enqueue_indirect_dma source(%arg9 : memref<128x128xf32, #tpu.memory_space<vmem>>) target(%dma_start3A_75 : memref<10240x128xf32, #tpu.memory_space<vmem_shared>>) offsets(%dma_start3A_72 : memref<128xi32, #tpu.memory_space<vmem>>) semaphore(%run_scoped3A : memref<!tpu.dma_semaphore, #tpu.memory_space<semaphore_mem>>) {add = true}
          %dma_wait3A_76 = arith.constant 0 : i32
          %dma_wait3A_77 = tpu.memref_slice %arg8[%mul3A_46, %dma_wait3A_76] : memref<40x128xi32, #tpu.memory_space<vmem>> -> memref<1x128xi32, #tpu.memory_space<vmem>>
          %dma_wait3A_78 = tpu.memref_squeeze %dma_wait3A_77 : memref<1x128xi32, #tpu.memory_space<vmem>> -> memref<128xi32, #tpu.memory_space<vmem>>
          %dma_wait3A_79 = arith.constant 0 : i32
          %dma_wait3A_80 = arith.constant 0 : i32
          %dma_wait3A_81 = tpu.memref_slice %arg6[%dma_wait3A_79, %dma_wait3A_80] : memref<10240x128xf32, #tpu.memory_space<vmem_shared>> -> memref<10240x128xf32, #tpu.memory_space<vmem_shared>>
          tpu.wait_indirect_dma semaphore(%run_scoped3A : memref<!tpu.dma_semaphore, #tpu.memory_space<semaphore_mem>>) src(%arg9 : memref<128x128xf32, #tpu.memory_space<vmem>>) dst(%dma_wait3A_81 : memref<10240x128xf32, #tpu.memory_space<vmem_shared>>)
          tpu.yield
        }) : () -> ()
        %add3A_60 = arith.constant 1 : i32
        %add3A_61 = arith.addi %add3A_48, %add3A_60 : i32
        %lt3A = arith.constant 40 : i32
        %lt3A_62 = arith.cmpi slt, %add3A_61, %lt3A : i32
        %convert_element_type3A = arith.extui %lt3A_62 : i1 to i32
        %cond3A = arith.constant 0 : i32
        %cond3A_63 = arith.cmpi ne, %convert_element_type3A, %cond3A : i32
        scf.if %cond3A_63 {
          %add3A_70 = arith.constant 1 : i32
          %add3A_71 = arith.addi %add3A_48, %add3A_70 : i32
          %dma_start3A_72 = arith.constant 0 : i32
          %dma_start3A_73 = tpu.memref_slice %arg7[%add3A_71, %dma_start3A_72] : memref<40x128xi32, #tpu.memory_space<vmem>> -> memref<1x128xi32, #tpu.memory_space<vmem>>
          %dma_start3A_74 = tpu.memref_squeeze %dma_start3A_73 : memref<1x128xi32, #tpu.memory_space<vmem>> -> memref<128xi32, #tpu.memory_space<vmem>>
          %dma_start3A_75 = arith.constant 0 : i32
          %dma_start3A_76 = arith.constant 0 : i32
          %dma_start3A_77 = tpu.memref_slice %arg2[%dma_start3A_75, %dma_start3A_76] : memref<20480x128xf32, #tpu.memory_space<hbm>> -> memref<20480x128xf32, #tpu.memory_space<hbm>>
          tpu.enqueue_indirect_dma source(%dma_start3A_77 : memref<20480x128xf32, #tpu.memory_space<hbm>>) target(%arg9 : memref<128x128xf32, #tpu.memory_space<vmem>>) offsets(%dma_start3A_74 : memref<128xi32, #tpu.memory_space<vmem>>) semaphore(%arg11 : memref<!tpu.dma_semaphore, #tpu.memory_space<semaphore_mem>>)
        } else {
        }
        %dma_wait3A_64 = arith.constant 0 : i32
        %dma_wait3A_65 = tpu.memref_slice %arg7[%add3A_48, %dma_wait3A_64] : memref<40x128xi32, #tpu.memory_space<vmem>> -> memref<1x128xi32, #tpu.memory_space<vmem>>
        %dma_wait3A_66 = tpu.memref_squeeze %dma_wait3A_65 : memref<1x128xi32, #tpu.memory_space<vmem>> -> memref<128xi32, #tpu.memory_space<vmem>>
        %dma_wait3A_67 = arith.constant 0 : i32
        %dma_wait3A_68 = arith.constant 0 : i32
        %dma_wait3A_69 = tpu.memref_slice %arg2[%dma_wait3A_67, %dma_wait3A_68] : memref<20480x128xf32, #tpu.memory_space<hbm>> -> memref<20480x128xf32, #tpu.memory_space<hbm>>
        tpu.wait_indirect_dma semaphore(%arg12 : memref<!tpu.dma_semaphore, #tpu.memory_space<semaphore_mem>>) src(%dma_wait3A_69 : memref<20480x128xf32, #tpu.memory_space<hbm>>) dst(%arg10 : memref<128x128xf32, #tpu.memory_space<vmem>>)
        "tpu.region"() ({
          %run_scoped3A = tpu.sem_alloc : memref<!tpu.dma_semaphore, #tpu.memory_space<semaphore_mem>>
          %dma_start3A_70 = arith.constant 0 : i32
          %dma_start3A_71 = tpu.memref_slice %arg8[%add3A_48, %dma_start3A_70] : memref<40x128xi32, #tpu.memory_space<vmem>> -> memref<1x128xi32, #tpu.memory_space<vmem>>
          %dma_start3A_72 = tpu.memref_squeeze %dma_start3A_71 : memref<1x128xi32, #tpu.memory_space<vmem>> -> memref<128xi32, #tpu.memory_space<vmem>>
          %dma_start3A_73 = arith.constant 0 : i32
          %dma_start3A_74 = arith.constant 0 : i32
          %dma_start3A_75 = tpu.memref_slice %arg6[%dma_start3A_73, %dma_start3A_74] : memref<10240x128xf32, #tpu.memory_space<vmem_shared>> -> memref<10240x128xf32, #tpu.memory_space<vmem_shared>>
          tpu.enqueue_indirect_dma source(%arg10 : memref<128x128xf32, #tpu.memory_space<vmem>>) target(%dma_start3A_75 : memref<10240x128xf32, #tpu.memory_space<vmem_shared>>) offsets(%dma_start3A_72 : memref<128xi32, #tpu.memory_space<vmem>>) semaphore(%run_scoped3A : memref<!tpu.dma_semaphore, #tpu.memory_space<semaphore_mem>>) {add = true}
          %dma_wait3A_76 = arith.constant 0 : i32
          %dma_wait3A_77 = tpu.memref_slice %arg8[%add3A_48, %dma_wait3A_76] : memref<40x128xi32, #tpu.memory_space<vmem>> -> memref<1x128xi32, #tpu.memory_space<vmem>>
          %dma_wait3A_78 = tpu.memref_squeeze %dma_wait3A_77 : memref<1x128xi32, #tpu.memory_space<vmem>> -> memref<128xi32, #tpu.memory_space<vmem>>
          %dma_wait3A_79 = arith.constant 0 : i32
          %dma_wait3A_80 = arith.constant 0 : i32
          %dma_wait3A_81 = tpu.memref_slice %arg6[%dma_wait3A_79, %dma_wait3A_80] : memref<10240x128xf32, #tpu.memory_space<vmem_shared>> -> memref<10240x128xf32, #tpu.memory_space<vmem_shared>>
          tpu.wait_indirect_dma semaphore(%run_scoped3A : memref<!tpu.dma_semaphore, #tpu.memory_space<semaphore_mem>>) src(%arg10 : memref<128x128xf32, #tpu.memory_space<vmem>>) dst(%dma_wait3A_81 : memref<10240x128xf32, #tpu.memory_space<vmem_shared>>)
          tpu.yield
        }) : () -> ()
      }
      %scan3A_43 = arith.constant 20 : i32
    }
    %scan3A_16 = arith.constant 2 : i32
    %barrier3A_17 = arith.constant 0 : index
    tpu.barrier barrier_id(%barrier3A_17)
    %mul3A_18 = arith.constant 640 : i32
    %mul3A_19 = arith.muli %arg1, %mul3A_18 : i32
    %mul3A_20 = arith.constant 10240 : i32
    %mul3A_21 = arith.muli %arg0, %mul3A_20 : i32
    %mul3A_22 = arith.constant 640 : i32
    %mul3A_23 = arith.muli %arg1, %mul3A_22 : i32
    %add3A_24 = arith.addi %mul3A_21, %mul3A_23 : i32
    "tpu.region"() ({
      %run_scoped3A = tpu.sem_alloc : memref<!tpu.dma_semaphore, #tpu.memory_space<semaphore_mem>>
      %dma_start3A = arith.constant 0 : i32
      %dma_start3A_25 = tpu.memref_slice %arg5[%add3A_24, %dma_start3A] : memref<20480x128xf32, #tpu.memory_space<hbm>> -> memref<640x128xf32, #tpu.memory_space<hbm>>
      %dma_start3A_26 = arith.constant 0 : i32
      %dma_start3A_27 = tpu.memref_slice %arg6[%mul3A_19, %dma_start3A_26] : memref<10240x128xf32, #tpu.memory_space<vmem_shared>> -> memref<640x128xf32, #tpu.memory_space<vmem_shared>>
      tpu.enqueue_dma source(%dma_start3A_27 : memref<640x128xf32, #tpu.memory_space<vmem_shared>>) target(%dma_start3A_25 : memref<640x128xf32, #tpu.memory_space<hbm>>) target_semaphore(%run_scoped3A : memref<!tpu.dma_semaphore, #tpu.memory_space<semaphore_mem>>)
      %dma_wait3A = arith.constant 0 : i32
      %dma_wait3A_28 = tpu.memref_slice %arg5[%add3A_24, %dma_wait3A] : memref<20480x128xf32, #tpu.memory_space<hbm>> -> memref<640x128xf32, #tpu.memory_space<hbm>>
      %dma_wait3A_29 = arith.constant 0 : i32
      %dma_wait3A_30 = tpu.memref_slice %arg6[%mul3A_19, %dma_wait3A_29] : memref<10240x128xf32, #tpu.memory_space<vmem_shared>> -> memref<640x128xf32, #tpu.memory_space<vmem_shared>>
      tpu.wait_dma2 semaphore(%run_scoped3A : memref<!tpu.dma_semaphore, #tpu.memory_space<semaphore_mem>>) src(%dma_wait3A_30 : memref<640x128xf32, #tpu.memory_space<vmem_shared>>) dst(%dma_wait3A_28 : memref<640x128xf32, #tpu.memory_space<hbm>>)
      tpu.yield
    }) : () -> ()
    return
  }
}

#map = affine_map<(d0, d1) -> (0, 0)>
module attributes {stable_mosaic.version = 14 : i64} {
  func.func @deg_kernel(%arg0: i32, %arg1: i32, %arg2: memref<1280x128xi32, #tpu.memory_space<hbm>>, %arg3: memref<10240x128xf32, #tpu.memory_space<hbm>>, %arg4: memref<128x128xf32, #tpu.memory_space<hbm>>, %arg5: memref<20480x128xf32, #tpu.memory_space<hbm>>, %arg6: memref<10240x128xf32, #tpu.memory_space<vmem_shared>>, %arg7: memref<40x128xi32, #tpu.memory_space<vmem>>, %arg8: memref<128x128xf32, #tpu.memory_space<vmem>>) attributes {dimension_semantics = [#tpu.dimension_semantics<core_parallel>, #tpu.dimension_semantics<subcore_parallel>], iteration_bounds = array<i64: 2, 16>, scalar_prefetch = 0 : i64, scratch_operands = 3 : i64, tpu.core_type = #tpu.core_type<sc_vector_subcore>, window_params = [{transform_indices = #map}, {transform_indices = #map}, {transform_indices = #map}, {transform_indices = #map}]} {
    %mul3A = arith.constant 640 : i32
    %mul3A_0 = arith.muli %arg1, %mul3A : i32
    %mul3A_1 = arith.constant 640 : i32
    %mul3A_2 = arith.muli %arg1, %mul3A_1 : i32
    "tpu.region"() ({
      %run_scoped3A = tpu.sem_alloc : memref<!tpu.dma_semaphore, #tpu.memory_space<semaphore_mem>>
      %dma_start3A = arith.constant 0 : i32
      %dma_start3A_20 = tpu.memref_slice %arg6[%mul3A_2, %dma_start3A] : memref<10240x128xf32, #tpu.memory_space<vmem_shared>> -> memref<640x128xf32, #tpu.memory_space<vmem_shared>>
      %dma_start3A_21 = arith.constant 0 : i32
      %dma_start3A_22 = tpu.memref_slice %arg3[%mul3A_0, %dma_start3A_21] : memref<10240x128xf32, #tpu.memory_space<hbm>> -> memref<640x128xf32, #tpu.memory_space<hbm>>
      tpu.enqueue_dma source(%dma_start3A_22 : memref<640x128xf32, #tpu.memory_space<hbm>>) target(%dma_start3A_20 : memref<640x128xf32, #tpu.memory_space<vmem_shared>>) target_semaphore(%run_scoped3A : memref<!tpu.dma_semaphore, #tpu.memory_space<semaphore_mem>>)
      %dma_wait3A = arith.constant 0 : i32
      %dma_wait3A_23 = tpu.memref_slice %arg6[%mul3A_2, %dma_wait3A] : memref<10240x128xf32, #tpu.memory_space<vmem_shared>> -> memref<640x128xf32, #tpu.memory_space<vmem_shared>>
      %dma_wait3A_24 = arith.constant 0 : i32
      %dma_wait3A_25 = tpu.memref_slice %arg3[%mul3A_0, %dma_wait3A_24] : memref<10240x128xf32, #tpu.memory_space<hbm>> -> memref<640x128xf32, #tpu.memory_space<hbm>>
      tpu.wait_dma2 semaphore(%run_scoped3A : memref<!tpu.dma_semaphore, #tpu.memory_space<semaphore_mem>>) src(%dma_wait3A_25 : memref<640x128xf32, #tpu.memory_space<hbm>>) dst(%dma_wait3A_23 : memref<640x128xf32, #tpu.memory_space<vmem_shared>>)
      tpu.yield
    }) : () -> ()
    "tpu.region"() ({
      %run_scoped3A = tpu.sem_alloc : memref<!tpu.dma_semaphore, #tpu.memory_space<semaphore_mem>>
      tpu.enqueue_dma source(%arg4 : memref<128x128xf32, #tpu.memory_space<hbm>>) target(%arg8 : memref<128x128xf32, #tpu.memory_space<vmem>>) target_semaphore(%run_scoped3A : memref<!tpu.dma_semaphore, #tpu.memory_space<semaphore_mem>>)
      tpu.wait_dma2 semaphore(%run_scoped3A : memref<!tpu.dma_semaphore, #tpu.memory_space<semaphore_mem>>) src(%arg4 : memref<128x128xf32, #tpu.memory_space<hbm>>) dst(%arg8 : memref<128x128xf32, #tpu.memory_space<vmem>>)
      tpu.yield
    }) : () -> ()
    %mul3A_3 = arith.constant 640 : i32
    %mul3A_4 = arith.muli %arg0, %mul3A_3 : i32
    %mul3A_5 = arith.constant 40 : i32
    %mul3A_6 = arith.muli %arg1, %mul3A_5 : i32
    %add3A = arith.addi %mul3A_4, %mul3A_6 : i32
    "tpu.region"() ({
      %run_scoped3A = tpu.sem_alloc : memref<!tpu.dma_semaphore, #tpu.memory_space<semaphore_mem>>
      %dma_start3A = arith.constant 0 : i32
      %dma_start3A_20 = tpu.memref_slice %arg2[%add3A, %dma_start3A] : memref<1280x128xi32, #tpu.memory_space<hbm>> -> memref<40x128xi32, #tpu.memory_space<hbm>>
      %dma_start3A_21 = arith.constant 0 : i32
      %dma_start3A_22 = tpu.memref_slice %arg2[%add3A, %dma_start3A_21] : memref<1280x128xi32, #tpu.memory_space<hbm>> -> memref<40x128xi32, #tpu.memory_space<hbm>>
      tpu.enqueue_dma source(%dma_start3A_22 : memref<40x128xi32, #tpu.memory_space<hbm>>) target(%arg7 : memref<40x128xi32, #tpu.memory_space<vmem>>) target_semaphore(%run_scoped3A : memref<!tpu.dma_semaphore, #tpu.memory_space<semaphore_mem>>)
      %dma_wait3A = arith.constant 0 : i32
      %dma_wait3A_23 = tpu.memref_slice %arg2[%add3A, %dma_wait3A] : memref<1280x128xi32, #tpu.memory_space<hbm>> -> memref<40x128xi32, #tpu.memory_space<hbm>>
      %dma_wait3A_24 = arith.constant 0 : i32
      %dma_wait3A_25 = tpu.memref_slice %arg2[%add3A, %dma_wait3A_24] : memref<1280x128xi32, #tpu.memory_space<hbm>> -> memref<40x128xi32, #tpu.memory_space<hbm>>
      tpu.wait_dma2 semaphore(%run_scoped3A : memref<!tpu.dma_semaphore, #tpu.memory_space<semaphore_mem>>) src(%dma_wait3A_25 : memref<40x128xi32, #tpu.memory_space<hbm>>) dst(%arg7 : memref<40x128xi32, #tpu.memory_space<vmem>>)
      tpu.yield
    }) : () -> ()
    %barrier3A = arith.constant 0 : index
    tpu.barrier barrier_id(%barrier3A)
    %scan3A = arith.constant 0 : i32
    %scan3A_7 = arith.constant 0 : i32
    %scan3A_8 = arith.constant 40 : i32
    %scan3A_9 = arith.addi %scan3A_7, %scan3A_8 : i32
    %scan3A_10 = arith.constant 1 : i32
    scf.for %scan3A_20 = %scan3A_7 to %scan3A_9 step %scan3A_10  : i32 {
      "tpu.region"() ({
        %run_scoped3A = tpu.sem_alloc : memref<!tpu.dma_semaphore, #tpu.memory_space<semaphore_mem>>
        %dma_start3A = arith.constant 0 : i32
        %dma_start3A_21 = tpu.memref_slice %arg7[%scan3A_20, %dma_start3A] : memref<40x128xi32, #tpu.memory_space<vmem>> -> memref<1x128xi32, #tpu.memory_space<vmem>>
        %dma_start3A_22 = tpu.memref_squeeze %dma_start3A_21 : memref<1x128xi32, #tpu.memory_space<vmem>> -> memref<128xi32, #tpu.memory_space<vmem>>
        %dma_start3A_23 = arith.constant 0 : i32
        %dma_start3A_24 = arith.constant 0 : i32
        %dma_start3A_25 = tpu.memref_slice %arg6[%dma_start3A_23, %dma_start3A_24] : memref<10240x128xf32, #tpu.memory_space<vmem_shared>> -> memref<10240x128xf32, #tpu.memory_space<vmem_shared>>
        tpu.enqueue_indirect_dma source(%arg8 : memref<128x128xf32, #tpu.memory_space<vmem>>) target(%dma_start3A_25 : memref<10240x128xf32, #tpu.memory_space<vmem_shared>>) offsets(%dma_start3A_22 : memref<128xi32, #tpu.memory_space<vmem>>) semaphore(%run_scoped3A : memref<!tpu.dma_semaphore, #tpu.memory_space<semaphore_mem>>) {add = true}
        %dma_wait3A = arith.constant 0 : i32
        %dma_wait3A_26 = tpu.memref_slice %arg7[%scan3A_20, %dma_wait3A] : memref<40x128xi32, #tpu.memory_space<vmem>> -> memref<1x128xi32, #tpu.memory_space<vmem>>
        %dma_wait3A_27 = tpu.memref_squeeze %dma_wait3A_26 : memref<1x128xi32, #tpu.memory_space<vmem>> -> memref<128xi32, #tpu.memory_space<vmem>>
        %dma_wait3A_28 = arith.constant 0 : i32
        %dma_wait3A_29 = arith.constant 0 : i32
        %dma_wait3A_30 = tpu.memref_slice %arg6[%dma_wait3A_28, %dma_wait3A_29] : memref<10240x128xf32, #tpu.memory_space<vmem_shared>> -> memref<10240x128xf32, #tpu.memory_space<vmem_shared>>
        tpu.wait_indirect_dma semaphore(%run_scoped3A : memref<!tpu.dma_semaphore, #tpu.memory_space<semaphore_mem>>) src(%arg8 : memref<128x128xf32, #tpu.memory_space<vmem>>) dst(%dma_wait3A_30 : memref<10240x128xf32, #tpu.memory_space<vmem_shared>>)
        tpu.yield
      }) : () -> ()
    }
    %scan3A_11 = arith.constant 40 : i32
    %barrier3A_12 = arith.constant 0 : index
    tpu.barrier barrier_id(%barrier3A_12)
    %mul3A_13 = arith.constant 640 : i32
    %mul3A_14 = arith.muli %arg1, %mul3A_13 : i32
    %mul3A_15 = arith.constant 10240 : i32
    %mul3A_16 = arith.muli %arg0, %mul3A_15 : i32
    %mul3A_17 = arith.constant 640 : i32
    %mul3A_18 = arith.muli %arg1, %mul3A_17 : i32
    %add3A_19 = arith.addi %mul3A_16, %mul3A_18 : i32
    "tpu.region"() ({
      %run_scoped3A = tpu.sem_alloc : memref<!tpu.dma_semaphore, #tpu.memory_space<semaphore_mem>>
      %dma_start3A = arith.constant 0 : i32
      %dma_start3A_20 = tpu.memref_slice %arg5[%add3A_19, %dma_start3A] : memref<20480x128xf32, #tpu.memory_space<hbm>> -> memref<640x128xf32, #tpu.memory_space<hbm>>
      %dma_start3A_21 = arith.constant 0 : i32
      %dma_start3A_22 = tpu.memref_slice %arg6[%mul3A_14, %dma_start3A_21] : memref<10240x128xf32, #tpu.memory_space<vmem_shared>> -> memref<640x128xf32, #tpu.memory_space<vmem_shared>>
      tpu.enqueue_dma source(%dma_start3A_22 : memref<640x128xf32, #tpu.memory_space<vmem_shared>>) target(%dma_start3A_20 : memref<640x128xf32, #tpu.memory_space<hbm>>) target_semaphore(%run_scoped3A : memref<!tpu.dma_semaphore, #tpu.memory_space<semaphore_mem>>)
      %dma_wait3A = arith.constant 0 : i32
      %dma_wait3A_23 = tpu.memref_slice %arg5[%add3A_19, %dma_wait3A] : memref<20480x128xf32, #tpu.memory_space<hbm>> -> memref<640x128xf32, #tpu.memory_space<hbm>>
      %dma_wait3A_24 = arith.constant 0 : i32
      %dma_wait3A_25 = tpu.memref_slice %arg6[%mul3A_14, %dma_wait3A_24] : memref<10240x128xf32, #tpu.memory_space<vmem_shared>> -> memref<640x128xf32, #tpu.memory_space<vmem_shared>>
      tpu.wait_dma2 semaphore(%run_scoped3A : memref<!tpu.dma_semaphore, #tpu.memory_space<semaphore_mem>>) src(%dma_wait3A_25 : memref<640x128xf32, #tpu.memory_space<vmem_shared>>) dst(%dma_wait3A_23 : memref<640x128xf32, #tpu.memory_space<hbm>>)
      tpu.yield
    }) : () -> ()
    return
  }
}

#map = affine_map<(d0, d1) -> (0, 0)>
module attributes {stable_mosaic.version = 14 : i64} {
  func.func @agg3_kernel(%arg0: i32, %arg1: i32, %arg2: memref<10240x128xf32, #tpu.memory_space<hbm>>, %arg3: memref<10240x128xf32, #tpu.memory_space<hbm>>, %arg4: memref<1280x128xi32, #tpu.memory_space<hbm>>, %arg5: memref<1280x128xi32, #tpu.memory_space<hbm>>, %arg6: memref<20480x128xf32, #tpu.memory_space<hbm>>, %arg7: memref<10240x128xf32, #tpu.memory_space<vmem_shared>>, %arg8: memref<40x128xi32, #tpu.memory_space<vmem>>, %arg9: memref<40x128xi32, #tpu.memory_space<vmem>>, %arg10: memref<128x128xf32, #tpu.memory_space<vmem>>, %arg11: memref<128x128xf32, #tpu.memory_space<vmem>>, %arg12: memref<!tpu.dma_semaphore, #tpu.memory_space<semaphore_mem>>, %arg13: memref<!tpu.dma_semaphore, #tpu.memory_space<semaphore_mem>>) attributes {dimension_semantics = [#tpu.dimension_semantics<core_parallel>, #tpu.dimension_semantics<subcore_parallel>], iteration_bounds = array<i64: 2, 16>, scalar_prefetch = 0 : i64, scratch_operands = 7 : i64, tpu.core_type = #tpu.core_type<sc_vector_subcore>, window_params = [{transform_indices = #map}, {transform_indices = #map}, {transform_indices = #map}, {transform_indices = #map}, {transform_indices = #map}]} {
    %mul3A = arith.constant 640 : i32
    %mul3A_0 = arith.muli %arg1, %mul3A : i32
    %mul3A_1 = arith.constant 640 : i32
    %mul3A_2 = arith.muli %arg1, %mul3A_1 : i32
    "tpu.region"() ({
      %run_scoped3A = tpu.sem_alloc : memref<!tpu.dma_semaphore, #tpu.memory_space<semaphore_mem>>
      %dma_start3A_35 = arith.constant 0 : i32
      %dma_start3A_36 = tpu.memref_slice %arg7[%mul3A_2, %dma_start3A_35] : memref<10240x128xf32, #tpu.memory_space<vmem_shared>> -> memref<640x128xf32, #tpu.memory_space<vmem_shared>>
      %dma_start3A_37 = arith.constant 0 : i32
      %dma_start3A_38 = tpu.memref_slice %arg3[%mul3A_0, %dma_start3A_37] : memref<10240x128xf32, #tpu.memory_space<hbm>> -> memref<640x128xf32, #tpu.memory_space<hbm>>
      tpu.enqueue_dma source(%dma_start3A_38 : memref<640x128xf32, #tpu.memory_space<hbm>>) target(%dma_start3A_36 : memref<640x128xf32, #tpu.memory_space<vmem_shared>>) target_semaphore(%run_scoped3A : memref<!tpu.dma_semaphore, #tpu.memory_space<semaphore_mem>>)
      %dma_wait3A = arith.constant 0 : i32
      %dma_wait3A_39 = tpu.memref_slice %arg7[%mul3A_2, %dma_wait3A] : memref<10240x128xf32, #tpu.memory_space<vmem_shared>> -> memref<640x128xf32, #tpu.memory_space<vmem_shared>>
      %dma_wait3A_40 = arith.constant 0 : i32
      %dma_wait3A_41 = tpu.memref_slice %arg3[%mul3A_0, %dma_wait3A_40] : memref<10240x128xf32, #tpu.memory_space<hbm>> -> memref<640x128xf32, #tpu.memory_space<hbm>>
      tpu.wait_dma2 semaphore(%run_scoped3A : memref<!tpu.dma_semaphore, #tpu.memory_space<semaphore_mem>>) src(%dma_wait3A_41 : memref<640x128xf32, #tpu.memory_space<hbm>>) dst(%dma_wait3A_39 : memref<640x128xf32, #tpu.memory_space<vmem_shared>>)
      tpu.yield
    }) : () -> ()
    %mul3A_3 = arith.constant 640 : i32
    %mul3A_4 = arith.muli %arg0, %mul3A_3 : i32
    %mul3A_5 = arith.constant 40 : i32
    %mul3A_6 = arith.muli %arg1, %mul3A_5 : i32
    %add3A = arith.addi %mul3A_4, %mul3A_6 : i32
    %barrier3A = arith.constant 0 : index
    tpu.barrier barrier_id(%barrier3A)
    %scan3A = arith.constant 0 : i32
    %scan3A_7 = arith.constant 0 : i32
    %mul3A_8 = arith.constant 40 : i32
    %mul3A_9 = arith.muli %scan3A_7, %mul3A_8 : i32
    %add3A_10 = arith.addi %add3A, %mul3A_9 : i32
    "tpu.region"() ({
      %run_scoped3A = tpu.sem_alloc : memref<!tpu.dma_semaphore, #tpu.memory_space<semaphore_mem>>
      %dma_start3A_35 = arith.constant 0 : i32
      %dma_start3A_36 = tpu.memref_slice %arg4[%add3A_10, %dma_start3A_35] : memref<1280x128xi32, #tpu.memory_space<hbm>> -> memref<40x128xi32, #tpu.memory_space<hbm>>
      %dma_start3A_37 = arith.constant 0 : i32
      %dma_start3A_38 = tpu.memref_slice %arg4[%add3A_10, %dma_start3A_37] : memref<1280x128xi32, #tpu.memory_space<hbm>> -> memref<40x128xi32, #tpu.memory_space<hbm>>
      tpu.enqueue_dma source(%dma_start3A_38 : memref<40x128xi32, #tpu.memory_space<hbm>>) target(%arg8 : memref<40x128xi32, #tpu.memory_space<vmem>>) target_semaphore(%run_scoped3A : memref<!tpu.dma_semaphore, #tpu.memory_space<semaphore_mem>>)
      %dma_wait3A = arith.constant 0 : i32
      %dma_wait3A_39 = tpu.memref_slice %arg4[%add3A_10, %dma_wait3A] : memref<1280x128xi32, #tpu.memory_space<hbm>> -> memref<40x128xi32, #tpu.memory_space<hbm>>
      %dma_wait3A_40 = arith.constant 0 : i32
      %dma_wait3A_41 = tpu.memref_slice %arg4[%add3A_10, %dma_wait3A_40] : memref<1280x128xi32, #tpu.memory_space<hbm>> -> memref<40x128xi32, #tpu.memory_space<hbm>>
      tpu.wait_dma2 semaphore(%run_scoped3A : memref<!tpu.dma_semaphore, #tpu.memory_space<semaphore_mem>>) src(%dma_wait3A_41 : memref<40x128xi32, #tpu.memory_space<hbm>>) dst(%arg8 : memref<40x128xi32, #tpu.memory_space<vmem>>)
      tpu.yield
    }) : () -> ()
    %mul3A_11 = arith.constant 40 : i32
    %mul3A_12 = arith.muli %scan3A_7, %mul3A_11 : i32
    %add3A_13 = arith.addi %add3A, %mul3A_12 : i32
    "tpu.region"() ({
      %run_scoped3A = tpu.sem_alloc : memref<!tpu.dma_semaphore, #tpu.memory_space<semaphore_mem>>
      %dma_start3A_35 = arith.constant 0 : i32
      %dma_start3A_36 = tpu.memref_slice %arg5[%add3A_13, %dma_start3A_35] : memref<1280x128xi32, #tpu.memory_space<hbm>> -> memref<40x128xi32, #tpu.memory_space<hbm>>
      %dma_start3A_37 = arith.constant 0 : i32
      %dma_start3A_38 = tpu.memref_slice %arg5[%add3A_13, %dma_start3A_37] : memref<1280x128xi32, #tpu.memory_space<hbm>> -> memref<40x128xi32, #tpu.memory_space<hbm>>
      tpu.enqueue_dma source(%dma_start3A_38 : memref<40x128xi32, #tpu.memory_space<hbm>>) target(%arg9 : memref<40x128xi32, #tpu.memory_space<vmem>>) target_semaphore(%run_scoped3A : memref<!tpu.dma_semaphore, #tpu.memory_space<semaphore_mem>>)
      %dma_wait3A = arith.constant 0 : i32
      %dma_wait3A_39 = tpu.memref_slice %arg5[%add3A_13, %dma_wait3A] : memref<1280x128xi32, #tpu.memory_space<hbm>> -> memref<40x128xi32, #tpu.memory_space<hbm>>
      %dma_wait3A_40 = arith.constant 0 : i32
      %dma_wait3A_41 = tpu.memref_slice %arg5[%add3A_13, %dma_wait3A_40] : memref<1280x128xi32, #tpu.memory_space<hbm>> -> memref<40x128xi32, #tpu.memory_space<hbm>>
      tpu.wait_dma2 semaphore(%run_scoped3A : memref<!tpu.dma_semaphore, #tpu.memory_space<semaphore_mem>>) src(%dma_wait3A_41 : memref<40x128xi32, #tpu.memory_space<hbm>>) dst(%arg9 : memref<40x128xi32, #tpu.memory_space<vmem>>)
      tpu.yield
    }) : () -> ()
    %dma_start3A = arith.constant 0 : i32
    %dma_start3A_14 = arith.constant 0 : i32
    %dma_start3A_15 = tpu.memref_slice %arg8[%dma_start3A, %dma_start3A_14] : memref<40x128xi32, #tpu.memory_space<vmem>> -> memref<1x128xi32, #tpu.memory_space<vmem>>
    %dma_start3A_16 = tpu.memref_squeeze %dma_start3A_15 : memref<1x128xi32, #tpu.memory_space<vmem>> -> memref<128xi32, #tpu.memory_space<vmem>>
    %dma_start3A_17 = arith.constant 0 : i32
    %dma_start3A_18 = arith.constant 0 : i32
    %dma_start3A_19 = tpu.memref_slice %arg2[%dma_start3A_17, %dma_start3A_18] : memref<10240x128xf32, #tpu.memory_space<hbm>> -> memref<10240x128xf32, #tpu.memory_space<hbm>>
    tpu.enqueue_indirect_dma source(%dma_start3A_19 : memref<10240x128xf32, #tpu.memory_space<hbm>>) target(%arg10 : memref<128x128xf32, #tpu.memory_space<vmem>>) offsets(%dma_start3A_16 : memref<128xi32, #tpu.memory_space<vmem>>) semaphore(%arg12 : memref<!tpu.dma_semaphore, #tpu.memory_space<semaphore_mem>>)
    %scan3A_20 = arith.constant 0 : i32
    %scan3A_21 = arith.constant 0 : i32
    %scan3A_22 = arith.constant 20 : i32
    %scan3A_23 = arith.addi %scan3A_21, %scan3A_22 : i32
    %scan3A_24 = arith.constant 1 : i32
    scf.for %scan3A_35 = %scan3A_21 to %scan3A_23 step %scan3A_24  : i32 {
      %mul3A_36 = arith.constant 2 : i32
      %mul3A_37 = arith.muli %mul3A_36, %scan3A_35 : i32
      %add3A_38 = arith.constant 1 : i32
      %add3A_39 = arith.addi %mul3A_37, %add3A_38 : i32
      %dma_start3A_40 = arith.constant 0 : i32
      %dma_start3A_41 = tpu.memref_slice %arg8[%add3A_39, %dma_start3A_40] : memref<40x128xi32, #tpu.memory_space<vmem>> -> memref<1x128xi32, #tpu.memory_space<vmem>>
      %dma_start3A_42 = tpu.memref_squeeze %dma_start3A_41 : memref<1x128xi32, #tpu.memory_space<vmem>> -> memref<128xi32, #tpu.memory_space<vmem>>
      %dma_start3A_43 = arith.constant 0 : i32
      %dma_start3A_44 = arith.constant 0 : i32
      %dma_start3A_45 = tpu.memref_slice %arg2[%dma_start3A_43, %dma_start3A_44] : memref<10240x128xf32, #tpu.memory_space<hbm>> -> memref<10240x128xf32, #tpu.memory_space<hbm>>
      tpu.enqueue_indirect_dma source(%dma_start3A_45 : memref<10240x128xf32, #tpu.memory_space<hbm>>) target(%arg11 : memref<128x128xf32, #tpu.memory_space<vmem>>) offsets(%dma_start3A_42 : memref<128xi32, #tpu.memory_space<vmem>>) semaphore(%arg13 : memref<!tpu.dma_semaphore, #tpu.memory_space<semaphore_mem>>)
      %dma_wait3A = arith.constant 0 : i32
      %dma_wait3A_46 = tpu.memref_slice %arg8[%mul3A_37, %dma_wait3A] : memref<40x128xi32, #tpu.memory_space<vmem>> -> memref<1x128xi32, #tpu.memory_space<vmem>>
      %dma_wait3A_47 = tpu.memref_squeeze %dma_wait3A_46 : memref<1x128xi32, #tpu.memory_space<vmem>> -> memref<128xi32, #tpu.memory_space<vmem>>
      %dma_wait3A_48 = arith.constant 0 : i32
      %dma_wait3A_49 = arith.constant 0 : i32
      %dma_wait3A_50 = tpu.memref_slice %arg2[%dma_wait3A_48, %dma_wait3A_49] : memref<10240x128xf32, #tpu.memory_space<hbm>> -> memref<10240x128xf32, #tpu.memory_space<hbm>>
      tpu.wait_indirect_dma semaphore(%arg12 : memref<!tpu.dma_semaphore, #tpu.memory_space<semaphore_mem>>) src(%dma_wait3A_50 : memref<10240x128xf32, #tpu.memory_space<hbm>>) dst(%arg10 : memref<128x128xf32, #tpu.memory_space<vmem>>)
      "tpu.region"() ({
        %run_scoped3A = tpu.sem_alloc : memref<!tpu.dma_semaphore, #tpu.memory_space<semaphore_mem>>
        %dma_start3A_61 = arith.constant 0 : i32
        %dma_start3A_62 = tpu.memref_slice %arg9[%mul3A_37, %dma_start3A_61] : memref<40x128xi32, #tpu.memory_space<vmem>> -> memref<1x128xi32, #tpu.memory_space<vmem>>
        %dma_start3A_63 = tpu.memref_squeeze %dma_start3A_62 : memref<1x128xi32, #tpu.memory_space<vmem>> -> memref<128xi32, #tpu.memory_space<vmem>>
        %dma_start3A_64 = arith.constant 0 : i32
        %dma_start3A_65 = arith.constant 0 : i32
        %dma_start3A_66 = tpu.memref_slice %arg7[%dma_start3A_64, %dma_start3A_65] : memref<10240x128xf32, #tpu.memory_space<vmem_shared>> -> memref<10240x128xf32, #tpu.memory_space<vmem_shared>>
        tpu.enqueue_indirect_dma source(%arg10 : memref<128x128xf32, #tpu.memory_space<vmem>>) target(%dma_start3A_66 : memref<10240x128xf32, #tpu.memory_space<vmem_shared>>) offsets(%dma_start3A_63 : memref<128xi32, #tpu.memory_space<vmem>>) semaphore(%run_scoped3A : memref<!tpu.dma_semaphore, #tpu.memory_space<semaphore_mem>>) {add = true}
        %dma_wait3A_67 = arith.constant 0 : i32
        %dma_wait3A_68 = tpu.memref_slice %arg9[%mul3A_37, %dma_wait3A_67] : memref<40x128xi32, #tpu.memory_space<vmem>> -> memref<1x128xi32, #tpu.memory_space<vmem>>
        %dma_wait3A_69 = tpu.memref_squeeze %dma_wait3A_68 : memref<1x128xi32, #tpu.memory_space<vmem>> -> memref<128xi32, #tpu.memory_space<vmem>>
        %dma_wait3A_70 = arith.constant 0 : i32
        %dma_wait3A_71 = arith.constant 0 : i32
        %dma_wait3A_72 = tpu.memref_slice %arg7[%dma_wait3A_70, %dma_wait3A_71] : memref<10240x128xf32, #tpu.memory_space<vmem_shared>> -> memref<10240x128xf32, #tpu.memory_space<vmem_shared>>
        tpu.wait_indirect_dma semaphore(%run_scoped3A : memref<!tpu.dma_semaphore, #tpu.memory_space<semaphore_mem>>) src(%arg10 : memref<128x128xf32, #tpu.memory_space<vmem>>) dst(%dma_wait3A_72 : memref<10240x128xf32, #tpu.memory_space<vmem_shared>>)
        tpu.yield
      }) : () -> ()
      %add3A_51 = arith.constant 1 : i32
      %add3A_52 = arith.addi %add3A_39, %add3A_51 : i32
      %lt3A = arith.constant 40 : i32
      %lt3A_53 = arith.cmpi slt, %add3A_52, %lt3A : i32
      %convert_element_type3A = arith.extui %lt3A_53 : i1 to i32
      %cond3A = arith.constant 0 : i32
      %cond3A_54 = arith.cmpi ne, %convert_element_type3A, %cond3A : i32
      scf.if %cond3A_54 {
        %add3A_61 = arith.constant 1 : i32
        %add3A_62 = arith.addi %add3A_39, %add3A_61 : i32
        %dma_start3A_63 = arith.constant 0 : i32
        %dma_start3A_64 = tpu.memref_slice %arg8[%add3A_62, %dma_start3A_63] : memref<40x128xi32, #tpu.memory_space<vmem>> -> memref<1x128xi32, #tpu.memory_space<vmem>>
        %dma_start3A_65 = tpu.memref_squeeze %dma_start3A_64 : memref<1x128xi32, #tpu.memory_space<vmem>> -> memref<128xi32, #tpu.memory_space<vmem>>
        %dma_start3A_66 = arith.constant 0 : i32
        %dma_start3A_67 = arith.constant 0 : i32
        %dma_start3A_68 = tpu.memref_slice %arg2[%dma_start3A_66, %dma_start3A_67] : memref<10240x128xf32, #tpu.memory_space<hbm>> -> memref<10240x128xf32, #tpu.memory_space<hbm>>
        tpu.enqueue_indirect_dma source(%dma_start3A_68 : memref<10240x128xf32, #tpu.memory_space<hbm>>) target(%arg10 : memref<128x128xf32, #tpu.memory_space<vmem>>) offsets(%dma_start3A_65 : memref<128xi32, #tpu.memory_space<vmem>>) semaphore(%arg12 : memref<!tpu.dma_semaphore, #tpu.memory_space<semaphore_mem>>)
      } else {
      }
      %dma_wait3A_55 = arith.constant 0 : i32
      %dma_wait3A_56 = tpu.memref_slice %arg8[%add3A_39, %dma_wait3A_55] : memref<40x128xi32, #tpu.memory_space<vmem>> -> memref<1x128xi32, #tpu.memory_space<vmem>>
      %dma_wait3A_57 = tpu.memref_squeeze %dma_wait3A_56 : memref<1x128xi32, #tpu.memory_space<vmem>> -> memref<128xi32, #tpu.memory_space<vmem>>
      %dma_wait3A_58 = arith.constant 0 : i32
      %dma_wait3A_59 = arith.constant 0 : i32
      %dma_wait3A_60 = tpu.memref_slice %arg2[%dma_wait3A_58, %dma_wait3A_59] : memref<10240x128xf32, #tpu.memory_space<hbm>> -> memref<10240x128xf32, #tpu.memory_space<hbm>>
      tpu.wait_indirect_dma semaphore(%arg13 : memref<!tpu.dma_semaphore, #tpu.memory_space<semaphore_mem>>) src(%dma_wait3A_60 : memref<10240x128xf32, #tpu.memory_space<hbm>>) dst(%arg11 : memref<128x128xf32, #tpu.memory_space<vmem>>)
      "tpu.region"() ({
        %run_scoped3A = tpu.sem_alloc : memref<!tpu.dma_semaphore, #tpu.memory_space<semaphore_mem>>
        %dma_start3A_61 = arith.constant 0 : i32
        %dma_start3A_62 = tpu.memref_slice %arg9[%add3A_39, %dma_start3A_61] : memref<40x128xi32, #tpu.memory_space<vmem>> -> memref<1x128xi32, #tpu.memory_space<vmem>>
        %dma_start3A_63 = tpu.memref_squeeze %dma_start3A_62 : memref<1x128xi32, #tpu.memory_space<vmem>> -> memref<128xi32, #tpu.memory_space<vmem>>
        %dma_start3A_64 = arith.constant 0 : i32
        %dma_start3A_65 = arith.constant 0 : i32
        %dma_start3A_66 = tpu.memref_slice %arg7[%dma_start3A_64, %dma_start3A_65] : memref<10240x128xf32, #tpu.memory_space<vmem_shared>> -> memref<10240x128xf32, #tpu.memory_space<vmem_shared>>
        tpu.enqueue_indirect_dma source(%arg11 : memref<128x128xf32, #tpu.memory_space<vmem>>) target(%dma_start3A_66 : memref<10240x128xf32, #tpu.memory_space<vmem_shared>>) offsets(%dma_start3A_63 : memref<128xi32, #tpu.memory_space<vmem>>) semaphore(%run_scoped3A : memref<!tpu.dma_semaphore, #tpu.memory_space<semaphore_mem>>) {add = true}
        %dma_wait3A_67 = arith.constant 0 : i32
        %dma_wait3A_68 = tpu.memref_slice %arg9[%add3A_39, %dma_wait3A_67] : memref<40x128xi32, #tpu.memory_space<vmem>> -> memref<1x128xi32, #tpu.memory_space<vmem>>
        %dma_wait3A_69 = tpu.memref_squeeze %dma_wait3A_68 : memref<1x128xi32, #tpu.memory_space<vmem>> -> memref<128xi32, #tpu.memory_space<vmem>>
        %dma_wait3A_70 = arith.constant 0 : i32
        %dma_wait3A_71 = arith.constant 0 : i32
        %dma_wait3A_72 = tpu.memref_slice %arg7[%dma_wait3A_70, %dma_wait3A_71] : memref<10240x128xf32, #tpu.memory_space<vmem_shared>> -> memref<10240x128xf32, #tpu.memory_space<vmem_shared>>
        tpu.wait_indirect_dma semaphore(%run_scoped3A : memref<!tpu.dma_semaphore, #tpu.memory_space<semaphore_mem>>) src(%arg11 : memref<128x128xf32, #tpu.memory_space<vmem>>) dst(%dma_wait3A_72 : memref<10240x128xf32, #tpu.memory_space<vmem_shared>>)
        tpu.yield
      }) : () -> ()
    }
    %scan3A_25 = arith.constant 20 : i32
    %scan3A_26 = arith.constant 1 : i32
    %barrier3A_27 = arith.constant 0 : index
    tpu.barrier barrier_id(%barrier3A_27)
    %mul3A_28 = arith.constant 640 : i32
    %mul3A_29 = arith.muli %arg1, %mul3A_28 : i32
    %mul3A_30 = arith.constant 10240 : i32
    %mul3A_31 = arith.muli %arg0, %mul3A_30 : i32
    %mul3A_32 = arith.constant 640 : i32
    %mul3A_33 = arith.muli %arg1, %mul3A_32 : i32
    %add3A_34 = arith.addi %mul3A_31, %mul3A_33 : i32
    "tpu.region"() ({
      %run_scoped3A = tpu.sem_alloc : memref<!tpu.dma_semaphore, #tpu.memory_space<semaphore_mem>>
      %dma_start3A_35 = arith.constant 0 : i32
      %dma_start3A_36 = tpu.memref_slice %arg6[%add3A_34, %dma_start3A_35] : memref<20480x128xf32, #tpu.memory_space<hbm>> -> memref<640x128xf32, #tpu.memory_space<hbm>>
      %dma_start3A_37 = arith.constant 0 : i32
      %dma_start3A_38 = tpu.memref_slice %arg7[%mul3A_29, %dma_start3A_37] : memref<10240x128xf32, #tpu.memory_space<vmem_shared>> -> memref<640x128xf32, #tpu.memory_space<vmem_shared>>
      tpu.enqueue_dma source(%dma_start3A_38 : memref<640x128xf32, #tpu.memory_space<vmem_shared>>) target(%dma_start3A_36 : memref<640x128xf32, #tpu.memory_space<hbm>>) target_semaphore(%run_scoped3A : memref<!tpu.dma_semaphore, #tpu.memory_space<semaphore_mem>>)
      %dma_wait3A = arith.constant 0 : i32
      %dma_wait3A_39 = tpu.memref_slice %arg6[%add3A_34, %dma_wait3A] : memref<20480x128xf32, #tpu.memory_space<hbm>> -> memref<640x128xf32, #tpu.memory_space<hbm>>
      %dma_wait3A_40 = arith.constant 0 : i32
      %dma_wait3A_41 = tpu.memref_slice %arg7[%mul3A_29, %dma_wait3A_40] : memref<10240x128xf32, #tpu.memory_space<vmem_shared>> -> memref<640x128xf32, #tpu.memory_space<vmem_shared>>
      tpu.wait_dma2 semaphore(%run_scoped3A : memref<!tpu.dma_semaphore, #tpu.memory_space<semaphore_mem>>) src(%dma_wait3A_41 : memref<640x128xf32, #tpu.memory_space<vmem_shared>>) dst(%dma_wait3A_39 : memref<640x128xf32, #tpu.memory_space<hbm>>)
      tpu.yield
    }) : () -> ()
    return
  }
}

module attributes {stable_mosaic.version = 14 : i64} {
  func.func @_tc1_body(%arg0: i32, %arg1: memref<640x256xf32, #tpu.memory_space<vmem>>, %arg2: memref<256x256xf32, #tpu.memory_space<vmem>>, %arg3: memref<640x128xf32, #tpu.memory_space<vmem>>, %arg4: memref<640x128xf32, #tpu.memory_space<vmem>>, %arg5: memref<2x640x128xf32, #tpu.memory_space<vmem>>, %arg6: memref<640x8xf32, #tpu.memory_space<vmem>>) attributes {dimension_semantics = [#tpu.dimension_semantics<arbitrary>], iteration_bounds = array<i64: 16>, scalar_prefetch = 0 : i64, scratch_operands = 0 : i64, tpu.core_type = #tpu.core_type<tc>, window_params = [{transform_indices = @transform_0, window_bounds = array<i64: 640, 256>}, {pipeline_mode = #tpu.pipeline_mode<synchronous>, transform_indices = @transform_1, window_bounds = array<i64: 256, 256>}, {transform_indices = @transform_2, window_bounds = array<i64: 640, 128>}, {transform_indices = @transform_3, window_bounds = array<i64: 640, 128>}, {transform_indices = @transform_4, window_bounds = array<i64: 2, 640, 128>}, {transform_indices = @transform_5, window_bounds = array<i64: 640, 8>}]} {
    %get3A = arith.constant 0 : index
    %get3A_0 = arith.constant 0 : index
    %get3A_1 = vector.load %arg3[%get3A, %get3A_0] : memref<640x128xf32, #tpu.memory_space<vmem>>, vector<640x1xf32>
    %get3A_2 = vector.shape_cast %get3A_1 : vector<640x1xf32> to vector<640xf32>
    %get3A_3 = arith.constant 0 : index
    %get3A_4 = arith.constant 0 : index
    %get3A_5 = vector.load %arg4[%get3A_3, %get3A_4] : memref<640x128xf32, #tpu.memory_space<vmem>>, vector<640x1xf32>
    %get3A_6 = vector.shape_cast %get3A_5 : vector<640x1xf32> to vector<640xf32>
    %add3A = arith.addf %get3A_2, %get3A_6 : vector<640xf32>
    %add3A_7 = arith.constant 1.000000e+00 : f32
    %add3A_8 = vector.broadcast %add3A_7 : f32 to vector<640xf32>
    %add3A_9 = arith.addf %add3A, %add3A_8 : vector<640xf32>
    %rsqrt3A = math.rsqrt %add3A_9 : vector<640xf32>
    %broadcast_in_dim3A = vector.shape_cast %rsqrt3A : vector<640xf32> to vector<640x1xf32>
    %broadcast_in_dim3A_10 = vector.shape_cast %broadcast_in_dim3A : vector<640x1xf32> to vector<640x1xf32>
    %broadcast_in_dim3A_11 = vector.broadcast %broadcast_in_dim3A_10 : vector<640x1xf32> to vector<640x8xf32>
    %swap3A = arith.constant 0 : index
    %swap3A_12 = arith.constant 0 : index
    %swap3A_13 = vector.load %arg6[%swap3A, %swap3A_12] : memref<640x8xf32, #tpu.memory_space<vmem>>, vector<640x8xf32>
    tpu.vector_store %arg6[%swap3A, %swap3A_12], %broadcast_in_dim3A_11 {strides = array<i32>} : memref<640x8xf32, #tpu.memory_space<vmem>>, vector<640x8xf32>,
    %get3A_14 = arith.constant 0 : index
    %get3A_15 = arith.constant 0 : index
    %get3A_16 = vector.load %arg1[%get3A_14, %get3A_15] : memref<640x256xf32, #tpu.memory_space<vmem>>, vector<640x256xf32>
    %get3A_17 = arith.constant 0 : index
    %get3A_18 = arith.constant 0 : index
    %get3A_19 = vector.load %arg2[%get3A_17, %get3A_18] : memref<256x256xf32, #tpu.memory_space<vmem>>, vector<256x256xf32>
    %dot_general3A = arith.constant dense<0.000000e+00> : vector<640x256xf32>
    %dot_general3A_20 = tpu.matmul %get3A_16, %get3A_19, %dot_general3A {dimension_numbers = #tpu.dot_dimension_numbers<[1], [0], [0], [1], [0, 0, 1, 1], [], []>, transpose_lhs_hint = false} : vector<640x256xf32>, vector<256x256xf32>, vector<640x256xf32> -> vector<640x256xf32>
    %mul3A = vector.broadcast %broadcast_in_dim3A : vector<640x1xf32> to vector<640x256xf32>
    %mul3A_21 = arith.mulf %dot_general3A_20, %mul3A : vector<640x256xf32>
    %slice3A = vector.extract_strided_slice %mul3A_21 {offsets = [0, 0], sizes = [640, 128], strides = [1, 1]} : vector<640x256xf32> to vector<640x128xf32>
    %swap3A_22 = arith.constant 0 : index
    %swap3A_23 = arith.constant 0 : index
    %swap3A_24 = arith.constant 0 : index
    %swap3A_25 = vector.load %arg5[%swap3A_22, %swap3A_23, %swap3A_24] : memref<2x640x128xf32, #tpu.memory_space<vmem>>, vector<1x640x128xf32>
    %swap3A_26 = vector.shape_cast %swap3A_25 : vector<1x640x128xf32> to vector<640x128xf32>
    %swap3A_27 = vector.shape_cast %slice3A : vector<640x128xf32> to vector<1x640x128xf32>
    tpu.vector_store %arg5[%swap3A_22, %swap3A_23, %swap3A_24], %swap3A_27 {strides = array<i32>} : memref<2x640x128xf32, #tpu.memory_space<vmem>>, vector<1x640x128xf32>,
    %slice3A_28 = vector.extract_strided_slice %mul3A_21 {offsets = [0, 128], sizes = [640, 128], strides = [1, 1]} : vector<640x256xf32> to vector<640x128xf32>
    %swap3A_29 = arith.constant 1 : index
    %swap3A_30 = arith.constant 0 : index
    %swap3A_31 = arith.constant 0 : index
    %swap3A_32 = vector.load %arg5[%swap3A_29, %swap3A_30, %swap3A_31] : memref<2x640x128xf32, #tpu.memory_space<vmem>>, vector<1x640x128xf32>
    %swap3A_33 = vector.shape_cast %swap3A_32 : vector<1x640x128xf32> to vector<640x128xf32>
    %swap3A_34 = vector.shape_cast %slice3A_28 : vector<640x128xf32> to vector<1x640x128xf32>
    tpu.vector_store %arg5[%swap3A_29, %swap3A_30, %swap3A_31], %swap3A_34 {strides = array<i32>} : memref<2x640x128xf32, #tpu.memory_space<vmem>>, vector<1x640x128xf32>,
    return
  }
  func.func @transform_0(%arg0: i32) -> (i32, i32) {
    %c0_i32 = arith.constant 0 : i32
    %c0_i32_0 = arith.constant 0 : i32
    return %arg0, %c0_i32 : i32, i32
  }
  func.func @transform_1(%arg0: i32) -> (i32, i32) {
    %c0_i32 = arith.constant 0 : i32
    %c0_i32_0 = arith.constant 0 : i32
    %c0_i32_1 = arith.constant 0 : i32
    return %c0_i32, %c0_i32_0 : i32, i32
  }
  func.func @transform_2(%arg0: i32) -> (i32, i32) {
    %c0_i32 = arith.constant 0 : i32
    %c0_i32_0 = arith.constant 0 : i32
    return %arg0, %c0_i32 : i32, i32
  }
  func.func @transform_3(%arg0: i32) -> (i32, i32) {
    %add3A = arith.constant 16 : i32
    %add3A_0 = arith.addi %add3A, %arg0 : i32
    %c0_i32 = arith.constant 0 : i32
    %c0_i32_1 = arith.constant 0 : i32
    return %add3A_0, %c0_i32 : i32, i32
  }
  func.func @transform_4(%arg0: i32) -> (i32, i32, i32) {
    %c0_i32 = arith.constant 0 : i32
    %c0_i32_0 = arith.constant 0 : i32
    %c0_i32_1 = arith.constant 0 : i32
    return %c0_i32, %arg0, %c0_i32_0 : i32, i32, i32
  }
  func.func @transform_5(%arg0: i32) -> (i32, i32) {
    %c0_i32 = arith.constant 0 : i32
    %c0_i32_0 = arith.constant 0 : i32
    return %arg0, %c0_i32 : i32, i32
  }
}

module attributes {stable_mosaic.version = 14 : i64} {
  func.func @_tc2_body(%arg0: i32, %arg1: memref<2x640x128xf32, #tpu.memory_space<vmem>>, %arg2: memref<640x8xf32, #tpu.memory_space<vmem>>, %arg3: memref<1x256xf32, #tpu.memory_space<vmem>>, %arg4: memref<256x256xf32, #tpu.memory_space<vmem>>, %arg5: memref<640x256xf32, #tpu.memory_space<vmem>>, %arg6: memref<2x640x128xf32, #tpu.memory_space<vmem>>) attributes {dimension_semantics = [#tpu.dimension_semantics<arbitrary>], iteration_bounds = array<i64: 16>, scalar_prefetch = 0 : i64, scratch_operands = 0 : i64, tpu.core_type = #tpu.core_type<tc>, window_params = [{transform_indices = @transform_0, window_bounds = array<i64: 2, 640, 128>}, {transform_indices = @transform_1, window_bounds = array<i64: 640, 8>}, {pipeline_mode = #tpu.pipeline_mode<synchronous>, transform_indices = @transform_2, window_bounds = array<i64: 1, 256>}, {pipeline_mode = #tpu.pipeline_mode<synchronous>, transform_indices = @transform_3, window_bounds = array<i64: 256, 256>}, {transform_indices = @transform_4, window_bounds = array<i64: 640, 256>}, {transform_indices = @transform_5, window_bounds = array<i64: 2, 640, 128>}]} {
    %get3A = arith.constant 0 : index
    %get3A_0 = arith.constant 0 : index
    %get3A_1 = vector.load %arg2[%get3A, %get3A_0] : memref<640x8xf32, #tpu.memory_space<vmem>>, vector<640x1xf32>
    %get3A_2 = arith.constant 0 : index
    %get3A_3 = arith.constant 0 : index
    %get3A_4 = arith.constant 0 : index
    %get3A_5 = vector.load %arg1[%get3A_2, %get3A_3, %get3A_4] : memref<2x640x128xf32, #tpu.memory_space<vmem>>, vector<1x640x128xf32>
    %get3A_6 = vector.shape_cast %get3A_5 : vector<1x640x128xf32> to vector<640x128xf32>
    %get3A_7 = arith.constant 1 : index
    %get3A_8 = arith.constant 0 : index
    %get3A_9 = arith.constant 0 : index
    %get3A_10 = vector.load %arg1[%get3A_7, %get3A_8, %get3A_9] : memref<2x640x128xf32, #tpu.memory_space<vmem>>, vector<1x640x128xf32>
    %get3A_11 = vector.shape_cast %get3A_10 : vector<1x640x128xf32> to vector<640x128xf32>
    %concatenate3A = tpu.concatenate %get3A_6, %get3A_11 in 1 : vector<640x128xf32>, vector<640x128xf32> -> vector<640x256xf32>
    %mul3A = vector.broadcast %get3A_1 : vector<640x1xf32> to vector<640x256xf32>
    %mul3A_12 = arith.mulf %mul3A, %concatenate3A : vector<640x256xf32>
    %get3A_13 = arith.constant 0 : index
    %get3A_14 = arith.constant 0 : index
    %get3A_15 = vector.load %arg3[%get3A_13, %get3A_14] : memref<1x256xf32, #tpu.memory_space<vmem>>, vector<1x256xf32>
    %add3A = vector.broadcast %get3A_15 : vector<1x256xf32> to vector<640x256xf32>
    %add3A_16 = arith.addf %mul3A_12, %add3A : vector<640x256xf32>
    %gt3A = arith.constant 0.000000e+00 : f32
    %gt3A_17 = vector.broadcast %gt3A : f32 to vector<640x256xf32>
    %gt3A_18 = arith.cmpf ogt, %add3A_16, %gt3A_17 : vector<640x256xf32>
    %min3A = arith.constant 0.000000e+00 : f32
    %min3A_19 = vector.broadcast %min3A : f32 to vector<640x256xf32>
    %min3A_20 = arith.minimumf %add3A_16, %min3A_19 : vector<640x256xf32>
    %exp3A = math.exp %min3A_20 : vector<640x256xf32>
    %sub3A = arith.constant 1.000000e+00 : f32
    %sub3A_21 = vector.broadcast %sub3A : f32 to vector<640x256xf32>
    %sub3A_22 = arith.subf %exp3A, %sub3A_21 : vector<640x256xf32>
    %select_n3A = arith.select %gt3A_18, %add3A_16, %sub3A_22 : vector<640x256xi1>, vector<640x256xf32>
    %swap3A = arith.constant 0 : index
    %swap3A_23 = arith.constant 0 : index
    %swap3A_24 = vector.load %arg5[%swap3A, %swap3A_23] : memref<640x256xf32, #tpu.memory_space<vmem>>, vector<640x256xf32>
    tpu.vector_store %arg5[%swap3A, %swap3A_23], %select_n3A {strides = array<i32>} : memref<640x256xf32, #tpu.memory_space<vmem>>, vector<640x256xf32>,
    %get3A_25 = arith.constant 0 : index
    %get3A_26 = arith.constant 0 : index
    %get3A_27 = vector.load %arg4[%get3A_25, %get3A_26] : memref<256x256xf32, #tpu.memory_space<vmem>>, vector<256x256xf32>
    %dot_general3A = arith.constant dense<0.000000e+00> : vector<640x256xf32>
    %dot_general3A_28 = tpu.matmul %select_n3A, %get3A_27, %dot_general3A {dimension_numbers = #tpu.dot_dimension_numbers<[1], [0], [0], [1], [0, 0, 1, 1], [], []>, transpose_lhs_hint = false} : vector<640x256xf32>, vector<256x256xf32>, vector<640x256xf32> -> vector<640x256xf32>
    %mul3A_29 = vector.broadcast %get3A_1 : vector<640x1xf32> to vector<640x256xf32>
    %mul3A_30 = arith.mulf %dot_general3A_28, %mul3A_29 : vector<640x256xf32>
    %slice3A = vector.extract_strided_slice %mul3A_30 {offsets = [0, 0], sizes = [640, 128], strides = [1, 1]} : vector<640x256xf32> to vector<640x128xf32>
    %swap3A_31 = arith.constant 0 : index
    %swap3A_32 = arith.constant 0 : index
    %swap3A_33 = arith.constant 0 : index
    %swap3A_34 = vector.load %arg6[%swap3A_31, %swap3A_32, %swap3A_33] : memref<2x640x128xf32, #tpu.memory_space<vmem>>, vector<1x640x128xf32>
    %swap3A_35 = vector.shape_cast %swap3A_34 : vector<1x640x128xf32> to vector<640x128xf32>
    %swap3A_36 = vector.shape_cast %slice3A : vector<640x128xf32> to vector<1x640x128xf32>
    tpu.vector_store %arg6[%swap3A_31, %swap3A_32, %swap3A_33], %swap3A_36 {strides = array<i32>} : memref<2x640x128xf32, #tpu.memory_space<vmem>>, vector<1x640x128xf32>,
    %slice3A_37 = vector.extract_strided_slice %mul3A_30 {offsets = [0, 128], sizes = [640, 128], strides = [1, 1]} : vector<640x256xf32> to vector<640x128xf32>
    %swap3A_38 = arith.constant 1 : index
    %swap3A_39 = arith.constant 0 : index
    %swap3A_40 = arith.constant 0 : index
    %swap3A_41 = vector.load %arg6[%swap3A_38, %swap3A_39, %swap3A_40] : memref<2x640x128xf32, #tpu.memory_space<vmem>>, vector<1x640x128xf32>
    %swap3A_42 = vector.shape_cast %swap3A_41 : vector<1x640x128xf32> to vector<640x128xf32>
    %swap3A_43 = vector.shape_cast %slice3A_37 : vector<640x128xf32> to vector<1x640x128xf32>
    tpu.vector_store %arg6[%swap3A_38, %swap3A_39, %swap3A_40], %swap3A_43 {strides = array<i32>} : memref<2x640x128xf32, #tpu.memory_space<vmem>>, vector<1x640x128xf32>,
    return
  }
  func.func @transform_0(%arg0: i32) -> (i32, i32, i32) {
    %c0_i32 = arith.constant 0 : i32
    %c0_i32_0 = arith.constant 0 : i32
    %c0_i32_1 = arith.constant 0 : i32
    return %c0_i32, %arg0, %c0_i32_0 : i32, i32, i32
  }
  func.func @transform_1(%arg0: i32) -> (i32, i32) {
    %c0_i32 = arith.constant 0 : i32
    %c0_i32_0 = arith.constant 0 : i32
    return %arg0, %c0_i32 : i32, i32
  }
  func.func @transform_2(%arg0: i32) -> (i32, i32) {
    %c0_i32 = arith.constant 0 : i32
    %c0_i32_0 = arith.constant 0 : i32
    %c0_i32_1 = arith.constant 0 : i32
    return %c0_i32, %c0_i32_0 : i32, i32
  }
  func.func @transform_3(%arg0: i32) -> (i32, i32) {
    %c0_i32 = arith.constant 0 : i32
    %c0_i32_0 = arith.constant 0 : i32
    %c0_i32_1 = arith.constant 0 : i32
    return %c0_i32, %c0_i32_0 : i32, i32
  }
  func.func @transform_4(%arg0: i32) -> (i32, i32) {
    %c0_i32 = arith.constant 0 : i32
    %c0_i32_0 = arith.constant 0 : i32
    return %arg0, %c0_i32 : i32, i32
  }
  func.func @transform_5(%arg0: i32) -> (i32, i32, i32) {
    %c0_i32 = arith.constant 0 : i32
    %c0_i32_0 = arith.constant 0 : i32
    %c0_i32_1 = arith.constant 0 : i32
    return %c0_i32, %arg0, %c0_i32_0 : i32, i32, i32
  }
}

module attributes {stable_mosaic.version = 14 : i64} {
  func.func @_tc3_body(%arg0: i32, %arg1: memref<2x640x128xf32, #tpu.memory_space<vmem>>, %arg2: memref<640x8xf32, #tpu.memory_space<vmem>>, %arg3: memref<1x256xf32, #tpu.memory_space<vmem>>, %arg4: memref<640x256xf32, #tpu.memory_space<vmem>>, %arg5: memref<256x64xf32, #tpu.memory_space<vmem>>, %arg6: memref<640x128xf32, #tpu.memory_space<vmem>>) attributes {dimension_semantics = [#tpu.dimension_semantics<arbitrary>], iteration_bounds = array<i64: 16>, scalar_prefetch = 0 : i64, scratch_operands = 0 : i64, tpu.core_type = #tpu.core_type<tc>, window_params = [{transform_indices = @transform_0, window_bounds = array<i64: 2, 640, 128>}, {transform_indices = @transform_1, window_bounds = array<i64: 640, 8>}, {pipeline_mode = #tpu.pipeline_mode<synchronous>, transform_indices = @transform_2, window_bounds = array<i64: 1, 256>}, {transform_indices = @transform_3, window_bounds = array<i64: 640, 256>}, {pipeline_mode = #tpu.pipeline_mode<synchronous>, transform_indices = @transform_4, window_bounds = array<i64: 256, 64>}, {transform_indices = @transform_5, window_bounds = array<i64: 640, 128>}]} {
    %get3A = arith.constant 0 : index
    %get3A_0 = arith.constant 0 : index
    %get3A_1 = vector.load %arg2[%get3A, %get3A_0] : memref<640x8xf32, #tpu.memory_space<vmem>>, vector<640x1xf32>
    %get3A_2 = arith.constant 0 : index
    %get3A_3 = arith.constant 0 : index
    %get3A_4 = arith.constant 0 : index
    %get3A_5 = vector.load %arg1[%get3A_2, %get3A_3, %get3A_4] : memref<2x640x128xf32, #tpu.memory_space<vmem>>, vector<1x640x128xf32>
    %get3A_6 = vector.shape_cast %get3A_5 : vector<1x640x128xf32> to vector<640x128xf32>
    %get3A_7 = arith.constant 1 : index
    %get3A_8 = arith.constant 0 : index
    %get3A_9 = arith.constant 0 : index
    %get3A_10 = vector.load %arg1[%get3A_7, %get3A_8, %get3A_9] : memref<2x640x128xf32, #tpu.memory_space<vmem>>, vector<1x640x128xf32>
    %get3A_11 = vector.shape_cast %get3A_10 : vector<1x640x128xf32> to vector<640x128xf32>
    %concatenate3A = tpu.concatenate %get3A_6, %get3A_11 in 1 : vector<640x128xf32>, vector<640x128xf32> -> vector<640x256xf32>
    %mul3A = vector.broadcast %get3A_1 : vector<640x1xf32> to vector<640x256xf32>
    %mul3A_12 = arith.mulf %mul3A, %concatenate3A : vector<640x256xf32>
    %get3A_13 = arith.constant 0 : index
    %get3A_14 = arith.constant 0 : index
    %get3A_15 = vector.load %arg3[%get3A_13, %get3A_14] : memref<1x256xf32, #tpu.memory_space<vmem>>, vector<1x256xf32>
    %add3A = vector.broadcast %get3A_15 : vector<1x256xf32> to vector<640x256xf32>
    %add3A_16 = arith.addf %mul3A_12, %add3A : vector<640x256xf32>
    %get3A_17 = arith.constant 0 : index
    %get3A_18 = arith.constant 0 : index
    %get3A_19 = vector.load %arg4[%get3A_17, %get3A_18] : memref<640x256xf32, #tpu.memory_space<vmem>>, vector<640x256xf32>
    %add3A_20 = arith.addf %add3A_16, %get3A_19 : vector<640x256xf32>
    %gt3A = arith.constant 0.000000e+00 : f32
    %gt3A_21 = vector.broadcast %gt3A : f32 to vector<640x256xf32>
    %gt3A_22 = arith.cmpf ogt, %add3A_20, %gt3A_21 : vector<640x256xf32>
    %min3A = arith.constant 0.000000e+00 : f32
    %min3A_23 = vector.broadcast %min3A : f32 to vector<640x256xf32>
    %min3A_24 = arith.minimumf %add3A_20, %min3A_23 : vector<640x256xf32>
    %exp3A = math.exp %min3A_24 : vector<640x256xf32>
    %sub3A = arith.constant 1.000000e+00 : f32
    %sub3A_25 = vector.broadcast %sub3A : f32 to vector<640x256xf32>
    %sub3A_26 = arith.subf %exp3A, %sub3A_25 : vector<640x256xf32>
    %select_n3A = arith.select %gt3A_22, %add3A_20, %sub3A_26 : vector<640x256xi1>, vector<640x256xf32>
    %get3A_27 = arith.constant 0 : index
    %get3A_28 = arith.constant 0 : index
    %get3A_29 = vector.load %arg5[%get3A_27, %get3A_28] : memref<256x64xf32, #tpu.memory_space<vmem>>, vector<256x64xf32>
    %dot_general3A = arith.constant dense<0.000000e+00> : vector<640x64xf32>
    %dot_general3A_30 = tpu.matmul %select_n3A, %get3A_29, %dot_general3A {dimension_numbers = #tpu.dot_dimension_numbers<[1], [0], [0], [1], [0, 0, 1, 1], [], []>, transpose_lhs_hint = false} : vector<640x256xf32>, vector<256x64xf32>, vector<640x64xf32> -> vector<640x64xf32>
    %mul3A_31 = vector.broadcast %get3A_1 : vector<640x1xf32> to vector<640x64xf32>
    %mul3A_32 = arith.mulf %dot_general3A_30, %mul3A_31 : vector<640x64xf32>
    %broadcast_in_dim3A = arith.constant 0.000000e+00 : f32
    %broadcast_in_dim3A_33 = vector.broadcast %broadcast_in_dim3A : f32 to vector<640x64xf32>
    %concatenate3A_34 = tpu.concatenate %mul3A_32, %broadcast_in_dim3A_33 in 1 : vector<640x64xf32>, vector<640x64xf32> -> vector<640x128xf32>
    %swap3A = arith.constant 0 : index
    %swap3A_35 = arith.constant 0 : index
    %swap3A_36 = vector.load %arg6[%swap3A, %swap3A_35] : memref<640x128xf32, #tpu.memory_space<vmem>>, vector<640x128xf32>
    tpu.vector_store %arg6[%swap3A, %swap3A_35], %concatenate3A_34 {strides = array<i32>} : memref<640x128xf32, #tpu.memory_space<vmem>>, vector<640x128xf32>,
    return
  }
  func.func @transform_0(%arg0: i32) -> (i32, i32, i32) {
    %c0_i32 = arith.constant 0 : i32
    %c0_i32_0 = arith.constant 0 : i32
    %c0_i32_1 = arith.constant 0 : i32
    return %c0_i32, %arg0, %c0_i32_0 : i32, i32, i32
  }
  func.func @transform_1(%arg0: i32) -> (i32, i32) {
    %c0_i32 = arith.constant 0 : i32
    %c0_i32_0 = arith.constant 0 : i32
    return %arg0, %c0_i32 : i32, i32
  }
  func.func @transform_2(%arg0: i32) -> (i32, i32) {
    %c0_i32 = arith.constant 0 : i32
    %c0_i32_0 = arith.constant 0 : i32
    %c0_i32_1 = arith.constant 0 : i32
    return %c0_i32, %c0_i32_0 : i32, i32
  }
  func.func @transform_3(%arg0: i32) -> (i32, i32) {
    %c0_i32 = arith.constant 0 : i32
    %c0_i32_0 = arith.constant 0 : i32
    return %arg0, %c0_i32 : i32, i32
  }
  func.func @transform_4(%arg0: i32) -> (i32, i32) {
    %c0_i32 = arith.constant 0 : i32
    %c0_i32_0 = arith.constant 0 : i32
    %c0_i32_1 = arith.constant 0 : i32
    return %c0_i32, %c0_i32_0 : i32, i32
  }
  func.func @transform_5(%arg0: i32) -> (i32, i32) {
    %c0_i32 = arith.constant 0 : i32
    %c0_i32_0 = arith.constant 0 : i32
    return %arg0, %c0_i32 : i32, i32
  }
}

module attributes {stable_mosaic.version = 14 : i64} {
  func.func @_tc4_body(%arg0: i32, %arg1: memref<2x640x128xf32, #tpu.memory_space<vmem>>, %arg2: memref<640x128xf32, #tpu.memory_space<vmem>>, %arg3: memref<640x8xf32, #tpu.memory_space<vmem>>, %arg4: memref<1x64xf32, #tpu.memory_space<vmem>>, %arg5: memref<640x64xf32, #tpu.memory_space<vmem>>) attributes {dimension_semantics = [#tpu.dimension_semantics<arbitrary>], iteration_bounds = array<i64: 16>, scalar_prefetch = 0 : i64, scratch_operands = 0 : i64, tpu.core_type = #tpu.core_type<tc>, window_params = [{transform_indices = @transform_0, window_bounds = array<i64: 2, 640, 128>}, {transform_indices = @transform_1, window_bounds = array<i64: 640, 128>}, {transform_indices = @transform_2, window_bounds = array<i64: 640, 8>}, {pipeline_mode = #tpu.pipeline_mode<synchronous>, transform_indices = @transform_3, window_bounds = array<i64: 1, 64>}, {transform_indices = @transform_4, window_bounds = array<i64: 640, 64>}]} {
    %get3A = arith.constant 0 : index
    %get3A_0 = arith.constant 0 : index
    %get3A_1 = arith.constant 0 : index
    %get3A_2 = vector.load %arg1[%get3A, %get3A_0, %get3A_1] : memref<2x640x128xf32, #tpu.memory_space<vmem>>, vector<1x640x64xf32>
    %get3A_3 = vector.shape_cast %get3A_2 : vector<1x640x64xf32> to vector<640x64xf32>
    %get3A_4 = arith.constant 1 : index
    %get3A_5 = arith.constant 0 : index
    %get3A_6 = arith.constant 0 : index
    %get3A_7 = vector.load %arg1[%get3A_4, %get3A_5, %get3A_6] : memref<2x640x128xf32, #tpu.memory_space<vmem>>, vector<1x640x64xf32>
    %get3A_8 = vector.shape_cast %get3A_7 : vector<1x640x64xf32> to vector<640x64xf32>
    %add3A = arith.addf %get3A_3, %get3A_8 : vector<640x64xf32>
    %get3A_9 = arith.constant 0 : index
    %get3A_10 = arith.constant 0 : index
    %get3A_11 = vector.load %arg2[%get3A_9, %get3A_10] : memref<640x128xf32, #tpu.memory_space<vmem>>, vector<640x64xf32>
    %add3A_12 = arith.addf %add3A, %get3A_11 : vector<640x64xf32>
    %get3A_13 = arith.constant 0 : index
    %get3A_14 = arith.constant 0 : index
    %get3A_15 = vector.load %arg3[%get3A_13, %get3A_14] : memref<640x8xf32, #tpu.memory_space<vmem>>, vector<640x1xf32>
    %mul3A = vector.broadcast %get3A_15 : vector<640x1xf32> to vector<640x64xf32>
    %mul3A_16 = arith.mulf %mul3A, %add3A_12 : vector<640x64xf32>
    %get3A_17 = arith.constant 0 : index
    %get3A_18 = arith.constant 0 : index
    %get3A_19 = vector.load %arg4[%get3A_17, %get3A_18] : memref<1x64xf32, #tpu.memory_space<vmem>>, vector<1x64xf32>
    %add3A_20 = vector.broadcast %get3A_19 : vector<1x64xf32> to vector<640x64xf32>
    %add3A_21 = arith.addf %mul3A_16, %add3A_20 : vector<640x64xf32>
    %swap3A = arith.constant 0 : index
    %swap3A_22 = arith.constant 0 : index
    %swap3A_23 = vector.load %arg5[%swap3A, %swap3A_22] : memref<640x64xf32, #tpu.memory_space<vmem>>, vector<640x64xf32>
    tpu.vector_store %arg5[%swap3A, %swap3A_22], %add3A_21 {strides = array<i32>} : memref<640x64xf32, #tpu.memory_space<vmem>>, vector<640x64xf32>,
    return
  }
  func.func @transform_0(%arg0: i32) -> (i32, i32, i32) {
    %c0_i32 = arith.constant 0 : i32
    %c0_i32_0 = arith.constant 0 : i32
    %c0_i32_1 = arith.constant 0 : i32
    return %c0_i32, %arg0, %c0_i32_0 : i32, i32, i32
  }
  func.func @transform_1(%arg0: i32) -> (i32, i32) {
    %c0_i32 = arith.constant 0 : i32
    %c0_i32_0 = arith.constant 0 : i32
    return %arg0, %c0_i32 : i32, i32
  }
  func.func @transform_2(%arg0: i32) -> (i32, i32) {
    %c0_i32 = arith.constant 0 : i32
    %c0_i32_0 = arith.constant 0 : i32
    return %arg0, %c0_i32 : i32, i32
  }
  func.func @transform_3(%arg0: i32) -> (i32, i32) {
    %c0_i32 = arith.constant 0 : i32
    %c0_i32_0 = arith.constant 0 : i32
    %c0_i32_1 = arith.constant 0 : i32
    return %c0_i32, %c0_i32_0 : i32, i32
  }
  func.func @transform_4(%arg0: i32) -> (i32, i32) {
    %c0_i32 = arith.constant 0 : i32
    %c0_i32_0 = arith.constant 0 : i32
    return %arg0, %c0_i32 : i32, i32
  }
}

</mosaic_0001>

<sc_bundles>
// kernel: kernel.10.cloned.1.call-start
scs
__scs_entry_jumppad:
0x0: {  	(pc) =	sbr.rel $0x88, $3  }
0x1: {  	(tag) =	ssettag $0x0;
	lr =	simm.s32 $0x1  }
0x2: {  	[smem:$0x3F99] =	sst lr;
	_ =	strace $0xD0000000  }
0x3: {  	_ = 	snop  }
0x4: {  	_ = 	snop  }
0x5: {  	_ = 	snop  }
0x6: {  	_ = 	snop  }
0x7: {  	_ = 	snop  }
__scs_overlays_trampoline_lowered:
0x8: {  	[smem:$0x3FA8] =	sst s0  }
0x9: {  	[smem:$0x3FA9] =	sst s1  }
0xa: {  	[smem:$0x3FAA] =	sst s2  }
0xb: {  	[smem:$0x3FAB] =	sst s3  }
0xc: {  	[smem:$0x3FAC] =	sst s4  }
0xd: {  	[smem:$0x3FAD] =	sst s5  }
0xe: {  	[smem:$0x3FAE] =	sst s6  }
0xf: {  	[smem:$0x3FAF] =	sst s7  }
0x10: {  	[smem:$0x3FB0] =	sst s8  }
0x11: {  	[smem:$0x3FB1] =	sst s9;
	s0 =	simm.s32 @!p0 $0x0  }
0x12: {  	s1 =	sld [smem:$0x3F97];
	s0 =	simm.s32 @p0 $0x1  }
0x13: {  	[smem:$0x3FB2] =	sst s0;
	s0 =	simm.s32 @!p1 $0x0  }
0x14: {  	s2 =	sld [smem:$0x3F96];
	s0 =	simm.s32 @p1 $0x1  }
0x15: {  	[smem:$0x3FB3] =	sst s0;
	s0 =	simm.s32 @!p2 $0x0  }
0x16: {  	s3 =	sld [smem:$0x3FDB];
	s0 =	simm.s32 @p2 $0x1  }
0x17: {  	s4 =	simm.s32 $0x1BF5;
	[smem:$0x3FB5] =	sst s0  }
0x18: {  	s0 =	sld [smem:$0x3F98];
	_ =	swait.ge [sflag:s4], $0x0  }
0x19: {  	s7 =	sld [smem:$0x3F99]  }
0x1a: {  	s8 =	sadd.s32 $0xFFFFE003, lr  }
0x1b: {  	s9 =	sadd.s32 $0xFFFFFEF7, lr;
	s5 =	simm.s32 $0xFFFFFFFF;
	p2 =	slt.u32 s8, $0xFFFFF086  }
0x1c: {  	p1 =	slt.u32 s9, $0xF7A;
	s5 =	simm.s32 @!p2 $0x0  }
0x1d: {  	s5 =	simm.s32 @p1 $0x1;
	p0 =	seq.s32 s7, s2  }
0x1e: {  	s7 =	smul.u32 @!p0 $0xF7A, s2;
	p2 =	seq.s32 @!p0 s5, $0x0  }
0x1f: {  	s9 =	smul.u32 $0xF7A, s1;
	s8 =	simm.s32 @!p0 $0x1BF5;
	p2 =	por !p2, p0  }
0x20: {  	[sflag:s8] =	ssyncset.s32 @!p0 $0xFFFFF086;
	s6 =	sadd.s32 @!p0 s3, s7;
	s7 =	simm.s32 @!p0 $0x108  }
0x21: {  	s3 =	sadd.s32 s3, s9;
	s6 =	sadd.s32 @!p0 $0x88, s6;
	s7 =	simm.s32 @p2 $0x1082  }
0x22: {  	[simem:s7], [sflag:s8] =	dma.local @!p0 [hbm:s6], $0xF7A  }
0x23: {  	s9 =	sor.u32 $0xD0000000, s2;
	s6 =	simm.s32 $0x108;
	_ =	swait.ge @!p0 [sflag:s8], $0x0  }
0x24: {  	s3 =	sadd.s32 $0x88, s3;
	s6 =	simm.s32 @!p1 $0x1082;
	[sflag:s4] =	ssyncset.s32 $0xFFFFF086  }
0x25: {  	[simem:s6], [sflag:s4] =	dma.local [hbm:s3], $0xF7A  }
0x26: {  	[smem:$0x3F99] =	sst s1;
	(tag) =	ssettag s2;
	_ =	strace s9  }
0x27: {  	s1 =	sld [smem:$0x3FA9]  }
0x28: {  	s2 =	sld [smem:$0x3FAA]  }
0x29: {  	s4 =	sld [smem:$0x3FAC]  }
0x2a: {  	p0 =	seq.s32 s5, $0x0;
	s5 =	sld [smem:$0x3FAD]  }
0x2b: {  	s6 =	sld [smem:$0x3FAE]  }
0x2c: {  	s7 =	sld [smem:$0x3FAF]  }
0x2d: {  	s3 =	simm.s32 $0x108;
	s8 =	sld [smem:$0x3FB0]  }
0x2e: {  	s3 =	simm.s32 @!p0 $0x1082;
	s9 =	sld [smem:$0x3FB1]  }
0x2f: {  	lr =	sadd.s32 s0, s3;
	s0 =	sld [smem:$0x3FA8]  }
0x30: {  	s3 =	sld [smem:$0x3FAB]  }
0x31: {  	[smem:$0x3FB4] =	sst s10  }
0x32: {  	s10 =	sld [smem:$0x3FB2];
	_ =	sdelay $0x3  }
0x33: {  	p0 =	seq.s32 s10, $0x1;
	s10 =	sld [smem:$0x3FB4];
	_ =	sdelay $0x3  }
0x34: {  	[smem:$0x3FB4] =	sst s10  }
0x35: {  	s10 =	sld [smem:$0x3FB3];
	_ =	sdelay $0x3  }
0x36: {  	p1 =	seq.s32 s10, $0x1;
	s10 =	sld [smem:$0x3FB4];
	_ =	sdelay $0x3  }
0x37: {  	[smem:$0x3FB4] =	sst s10  }
0x38: {  	s10 =	sld [smem:$0x3FB5]  }
0x39: {  	_ = 	snop;
	(pc) =	sbr.ind lr, $3  }
0x3a: {  	_ = 	snop  }
0x3b: {  	_ = 	snop  }
0x3c: {  	p2 =	seq.s32 s10, $0x1;
	s10 =	sld [smem:$0x3FB4]  }
0x3d: {  	_ =	shalt  }
0x3e: {  	_ =	shalt  }
0x3f: {  	_ =	shalt  }
0x40: {  	_ =	shalt  }
0x41: {  	_ =	shalt  }
0x42: {  	_ =	shalt  }
0x43: {  	_ =	shalt  }
0x44: {  	_ =	shalt  }
0x45: {  	_ =	shalt  }
0x46: {  	_ =	shalt  }
0x47: {  	_ =	shalt  }
0x48: {  	_ =	shalt  }
0x49: {  	_ =	shalt  }
0x4a: {  	_ =	shalt  }
0x4b: {  	_ =	shalt  }
0x4c: {  	_ =	shalt  }
0x4d: {  	_ =	shalt  }
0x4e: {  	_ =	shalt  }
0x4f: {  	_ =	shalt  }
0x50: {  	_ =	shalt  }
0x51: {  	_ =	shalt  }
0x52: {  	_ =	shalt  }
0x53: {  	_ =	shalt  }
0x54: {  	_ =	shalt  }
0x55: {  	_ =	shalt  }
0x56: {  	_ =	shalt  }
0x57: {  	_ =	shalt  }
0x58: {  	_ =	shalt  }
0x59: {  	_ =	shalt  }
0x5a: {  	_ =	shalt  }
0x5b: {  	_ =	shalt  }
0x5c: {  	_ =	shalt  }
0x5d: {  	_ =	shalt  }
0x5e: {  	_ =	shalt  }
0x5f: {  	_ =	shalt  }
0x60: {  	_ =	shalt  }
0x61: {  	_ =	shalt  }
0x62: {  	_ =	shalt  }
0x63: {  	_ =	shalt  }
0x64: {  	_ =	shalt  }
0x65: {  	_ =	shalt  }
0x66: {  	_ =	shalt  }
0x67: {  	_ =	shalt  }
0x68: {  	_ =	shalt  }
0x69: {  	_ =	shalt  }
0x6a: {  	_ =	shalt  }
0x6b: {  	_ =	shalt  }
0x6c: {  	_ =	shalt  }
0x6d: {  	_ =	shalt  }
0x6e: {  	_ =	shalt  }
0x6f: {  	_ =	shalt  }
0x70: {  	_ =	shalt  }
0x71: {  	_ =	shalt  }
0x72: {  	_ =	shalt  }
0x73: {  	_ =	shalt  }
0x74: {  	_ =	shalt  }
0x75: {  	_ =	shalt  }
0x76: {  	_ =	shalt  }
0x77: {  	_ =	shalt  }
0x78: {  	_ =	shalt  }
0x79: {  	_ =	shalt  }
0x7a: {  	_ =	shalt  }
0x7b: {  	_ =	shalt  }
0x7c: {  	_ =	shalt  }
0x7d: {  	_ =	shalt  }
0x7e: {  	_ =	shalt  }
0x7f: {  	_ =	shalt  }
0x80: {  	_ =	shalt  }
0x81: {  	_ =	shalt  }
0x82: {  	_ =	shalt  }
0x83: {  	_ =	shalt  }
0x84: {  	_ =	shalt  }
0x85: {  	_ =	shalt  }
0x86: {  	_ =	shalt  }
0x87: {  	_ =	shalt  }
.Lfunc_end0:
.L_simem_size_0:
called_computation_lowered:
.L_overlay_start_0:
0x88: {  	s2 =	sld [smem:$0x3FD9]  }
0x89: {  	s3 =	sld [smem:$0x3FFE];
	_ =	sdelay $0x1  }
0x8a: {  	s1 =	srdreg.scid  }
0x8b: {  	s0 =	sand.u32 $0x1, s1  }
0x8c: {  	s16 =	sshll.u32 s0, $0xA;
	s2 =	sadd.s32 s3, s2  }
0x8d: {  	s2 =	sadd.s32 s2, s16  }
0x8e: {  	[smem:$0x3FC0] =	sst s2  }
0x8f: {  	_ = 	snop  }
0x90: {  	(tm) =	ssettm $0x1  }
0x91: {  	s17 =	sld [smem:$0x3FFB];
	_ =	sdelay $0x3  }
0x92: {  	_ =	strace s17  }
0x93: {  	s2 =	sld [smem:$0x3FFC];
	_ =	sdelay $0x3  }
0x94: {  	_ =	strace s2  }
0x95: {  	s2 =	sld [smem:$0x3FFD];
	_ =	sdelay $0x3  }
0x96: {  	_ =	strace s2  }
0x97: {  	_ =	strace $0x8FFFFFFF  }
0x98: {  	s18 =	sld [smem:$0x3FDB];
	_ =	sdelay $0x1  }
0x99: {  	s19 =	simm.s32 $_scs_section_size  }
0x9a: {  	s4 =	simm.s32 $_size__tile_overlayer_lowered;
	s5 =	simm.s32 $_tile_overlayer_lowered  }
0x9b: {  	s22 =	simm.s32 $0x1BFF;
	s21 =	sshll.u32 s5, $0x1;
	s2 =	sadd.s32 s19, s18  }
0x9c: {  	s6 =	simm.s32 $0x0;
	s20 =	sshll.u32 s4, $0x1;
	s4 =	sadd.s32 s21, s2  }
0x9d: {  	[timem:s6], [sflag:s22] =	dma.local [hbm:s4], s20  }
0x9e: {  	_ =	swait.ge [sflag:s22], s20  }
0x9f: {  	s3 =	ssub.s32 $0x0, s20;
	[sflag:s22] =	ssyncset.done $0x0  }
0xa0: {  	[sflag:s22] =	ssyncadd.s32 s3;
	_ =	sdelay $0x1  }
0xa1: {  	s23 =	simm.s32 $0x1B8B  }
0xa2: {  	_ =	swait.ge [sflag:s23], $0x1  }
0xa3: {  	[sflag:s23] =	ssyncset.done $0x0  }
0xa4: {  	s25 =	simm.s32 $0x1B8E;
	s24 =	sld [smem:$0x3FFE];
	[sflag:s23] =	ssyncadd.s32 $0xFFFFFFFF  }
0xa5: {  	s26 =	simm.s32 $execute0_lowered;
	[smem:$0x3FD2] =	sst s25  }
0xa6: {  	s4 =	sshll.u32 s26, $0x1;
	_ =	strace $0x80000046;
	[dreg:$0x1] =	wrdreg $0xFFFFFFFF  }
0xa7: {  	s28 =	simm.s32 $_size_execute0_lowered;
	s2 =	sadd.s32 s2, s4;
	[dreg:$0x0] =	wrdreg $0x0  }
0xa8: {  	s4 =	sshll.u32 s28, $0x1;
	[dreg:$0x2] =	wrdreg s2  }
0xa9: {  	[dreg:$0x3] =	wrdreg s4  }
0xaa: {  	[dreg:$0x4] =	wrdreg $0xC0  }
0xab: {  	_ =	task [dreg:s6], $0x5FFFF  }
0xac: {  	[dreg:$0x1] =	wrdreg $0xFFFFFFFF  }
0xad: {  	[dreg:$0x0] =	wrdreg $0x60  }
0xae: {  	[dreg:$0x2] =	wrdreg s24  }
0xaf: {  	[dreg:$0x3] =	wrdreg $0x0  }
0xb0: {  	[dreg:$0x4] =	wrdreg $0x9  }
0xb1: {  	_ =	task.clear_ibuf [dreg:s6], $0x5FFFF;
	_ =	strace $0x90000046  }
0xb2: {  	s29 =	simm.s32 $0x9;
	_ =	strace $0x80000048  }
0xb3: {  	_ =	swait.ge [sflag:s29], $0x1  }
0xb4: {  	[sflag:s29] =	ssyncadd.s32 $0xFFFFFFFF  }
0xb5: {  	_ =	strace $0x90000048  }
0xb6: {  	_ =	sfence  }
0xb7: {  	s30 =	sld [smem:$0x0];
	_ =	sdelay $0x2  }
0xb8: {  	s31 =	sshll.u32 s1, $0xD;
	s1 =	sshrl.u32 s1, $0x2  }
0xb9: {  	s3 =	sand.u32 $0x4000, s31;
	s1 =	sadd.s32 s1, s30  }
0xba: {  	s0 =	sor.u32 s3, s0;
	s1 =	sshll.u32 s1, $0x11  }
0xbb: {  	s0 =	sor.u32 s1, s0  }
0xbc: {  	s0 =	sadd.s32 $0x8F2B, s0  }
0xbd: {  	[sflag:s0] =	ssyncadd.remote.s32 $0x1  }
0xbe: {  	_ =	sfence.sel $0xFFFF  }
0xbf: {  	[dreg:$0x0] =	wrdreg $0xFFFFFFFF;
	(pc) =	sbr.abs _section_cstart, $3  }
0xc0: {  	[dreg:$0x1] =	wrdreg $0xFFFFFFFF  }
0xc1: {  	_ =	task.clear_ibuf [dreg:s6], $0x2FFFF;
	_ =	strace $0x9FFFFFFF  }
0xc2: {  	(tm) =	ssettm $0x7FFFFFFF  }
0xc3: {  	_ =	shalt  }
tec
execute0_lowered:
.L_overlay_start_1:
0x0: {  	(tag) =	ssettag $0x1  }
0x1: {  	s5 =	rddreg [dreg:$0x0]  }
0x2: {  	s0 =	srdreg.scid;
	s2 =	rddreg [dreg:$0x1]  }
0x3: {  	s1 =	rddreg [dreg:$0x2];
	s4 =	sand.u32 $0x1, s0  }
0x4: {  	s0 =	stileid.u32;
	s6 =	smul.u32 $0x2800, s4  }
0x5: {  	s3 =	simm.s32 $0x0;
	s13 =	simm.s32 $0x14000;
	s7 =	smul.u32 $0x280, s0  }
0x6: {  	s14 =	simm.s32 $0x80;
	[smem:$0x7FF] =	sst s3;
	s8 =	smul.u32 $0x2800, s0  }
0x7: {  	s15 =	simm.s32 $0x0;
	s25 =	smul.u32 $0x28000, s4;
	_ =	strace $0x80000047  }
0x8: {  	s28 =	ssub.s32 $0x2, s4;
	s10 =	smul.u32 $0x50000, s0;
	s4 =	sadd.s32 $0x30000, s5  }
0x9: {  	s31 =	sshll.u32 s0, $0x6;
	s29 =	sshrl.u32 s28, $0x1;
	s6 =	sadd.s32 s7, s6  }
0xa: {  	s26 =	sadd.s32 s8, s5;
	s7 =	sadd.s32 s8, s25;
	s12 =	ssub.s32 s28, s29  }
0xb: {  	s30 =	sshrl.u32 s10, $0x2;
	s9 =	sadd.s32 s6, s5;
	s11 =	sadd.s32 s7, s5  }
0xc: {  	s10 =	sadd.s32 s30, s2;
	s5 =	sadd.s32 $0x8000, s26;
	s6 =	sor.u32 $0x1C01, s31  }
0xd: {  	s7 =	sadd.s32 $0x3000, s9;
	s8 =	sadd.s32 $0x30800, s11;
	s9 =	smax.u32 s12, $0x1  }
0xe: {  	s10 =	sshrl.u32 s10, $0x3;
	s11 =	simm.s32 $0x1;
	s12 =	simm.s32 $0x15400  }
.LBB2_1:
0xf: {  	[spmem:s10], [sflag:s6] =	dma.local [hbm:s5], $0x2800  }
0x10: {  	_ =	swait.ge [sflag:s11], $0x2800  }
0x11: {  	[sflag:s11] =	ssyncset.done $0x0  }
0x12: {  	[sflag:s11] =	ssyncadd.s32 $0xFFFFD800  }
0x13: {  	[tilespmem:s12], [sflag:$0x1] =	stream.linear.gather [hbm4b:s4+s3], $0x4000, $0x38;
	[tilespmem:$0x19400] =	vst v63  }
0x14: {  	_ =	swait.ge [sflag:s11], $0x4000  }
0x15: {  	[sflag:s11] =	ssyncset.done $0x0  }
0x16: {  	[sflag:s11] =	ssyncadd.s32 $0xFFFFC000  }
0x17: {  	[tilespmem:s13], [sflag:$0x1] =	stream.linear.gather [hbm4b:s7+s3], $0x1400, $0x38;
	[tilespmem:$0x19400] =	vst v63  }
0x18: {  	_ =	swait.ge [sflag:s11], $0x1400  }
0x19: {  	[sflag:s11] =	ssyncset.done $0x0  }
0x1a: {  	[sflag:s11] =	ssyncadd.s32 $0xFFFFEC00  }
0x1b: {  	s16 =	simm.s32 $0x14000;
	[bflag:$0x0] =	sbarrier.arrive $0xFFFF  }
0x1c: {  	[spmem:s2] =	stream.indirect.scatter.add.f32 [tilespmem:s12], [sflag:$0x1], $0x80, s16, s14, $0xb8;
	[tilespmem:$0x19400] =	vst v63  }
0x1d: {  	s16 =	simm.s32 $0x200;
	_ =	swait.ge [sflag:s11], $0x4000  }
.LBB2_2:
0x1e: {  	s17 =	sshra.s32 s16, $0x2;
	[sflag:s11] =	ssyncset.done $0x0;
	p0 =	sne.s32 s16, $0x4E00  }
.Ltmp0:
0x1f: {  	s17 =	sadd.s32 $0x14000, s17;
	[sflag:s11] =	ssyncadd.s32 $0xFFFFC000;
	(pc) =	sbr.rel @p0 .LBB2_2-.Ltmp0, $3  }
0x20: {  	[spmem:s2] =	stream.indirect.scatter.add.f32 [tilespmem:s12], [sflag:$0x1], $0x80, s17, s14, $0xb8;
	[tilespmem:$0x19400] =	vst v63  }
0x21: {  	s16 =	sadd.s32 $0x200, s16;
	_ =	sdelay $0x1  }
0x22: {  	_ =	swait.ge [sflag:s11], $0x4000  }
0x23: {  	[sflag:s11] =	ssyncset.done $0x0;
	s15 =	sadd.s32 $0x1, s15  }
0x24: {  	[sflag:s11] =	ssyncadd.s32 $0xFFFFC000;
	p0 =	sne.s32 s15, s9  }
.Ltmp1:
0x25: {  	[bflag:$0x0] =	sbarrier.arrive $0xFFFF;
	(pc) =	sbr.rel @p0 .LBB2_1-.Ltmp1, $4  }
0x26: {  	[hbm:s8], [sflag:s6] =	dma.local [spmem:s10], $0x2800  }
0x27: {  	_ =	swait.ge [sflag:s11], $0x2800  }
0x28: {  	[sflag:s11] =	ssyncset.done $0x0  }
0x29: {  	[sflag:s11] =	ssyncadd.s32 $0xFFFFD800  }
0x2a: {  	_ =	sfence.sel $0x180000  }
0x2b: {  	[bflag:$0x0] =	sbarrier.arrive $0xFFFF  }
0x2c: {  	p0 =	sne.s32 s0, $0x0;
	_ =	strace $0x90000047  }
0x2d: {  	s0 =	sadd.s32 @!p0 $0x100000, s1;
	[bflag:$0x2] =	sbarrier.arrive $0xFFFF  }
0x2e: {  	[sflag:s0] =	ssyncadd.tile.s32 @!p0 $0x1;
	_ =	shalt  }
.Lfunc_end2:
_tile_overlayer_lowered:
.L_overlay_start_2:
0x2f: {  	(tag) =	ssettag $0x2  }
0x30: {  	s0 =	rddreg [dreg:$0x0];
	s2 =	stileid.u32  }
0x31: {  	s1 =	rddreg [dreg:$0x1];
	p0 =	sne.s32 s2, $0x0  }
0x32: {  	s3 =	rddreg [dreg:$0x2];
	[bflag:$0x3] =	sbarrier.arrive $0xFFFF;
	s2 =	simm.s32 @!p0 $0x1C01  }
0x33: {  	[timem:s3], [sflag:s2] =	dma.local @!p0 [hbm:s0], s1  }
0x34: {  	s0 =	simm.s32 @!p0 $0x1  }
0x35: {  	_ =	swait.ge @!p0 [sflag:s0], s1  }
0x36: {  	s1 =	ssub.s32 @!p0 $0x0, s1;
	[sflag:s0] =	ssyncset.done @!p0 $0x0  }
0x37: {  	[sflag:s0] =	ssyncadd.s32 @!p0 s1  }
0x38: {  	[bflag:$0x3] =	sbarrier.arrive $0xFFFF  }
0x39: {  	_ =	shalt  }

// kernel: kernel.13.cloned.1.call-start
scs
__scs_entry_jumppad:
0x0: {  	(pc) =	sbr.rel $0x88, $3  }
0x1: {  	(tag) =	ssettag $0x0;
	lr =	simm.s32 $0x1  }
0x2: {  	[smem:$0x3F99] =	sst lr;
	_ =	strace $0xD0000000  }
0x3: {  	_ = 	snop  }
0x4: {  	_ = 	snop  }
0x5: {  	_ = 	snop  }
0x6: {  	_ = 	snop  }
0x7: {  	_ = 	snop  }
__scs_overlays_trampoline_lowered:
0x8: {  	[smem:$0x3FA8] =	sst s0  }
0x9: {  	[smem:$0x3FA9] =	sst s1  }
0xa: {  	[smem:$0x3FAA] =	sst s2  }
0xb: {  	[smem:$0x3FAB] =	sst s3  }
0xc: {  	[smem:$0x3FAC] =	sst s4  }
0xd: {  	[smem:$0x3FAD] =	sst s5  }
0xe: {  	[smem:$0x3FAE] =	sst s6  }
0xf: {  	[smem:$0x3FAF] =	sst s7  }
0x10: {  	[smem:$0x3FB0] =	sst s8  }
0x11: {  	[smem:$0x3FB1] =	sst s9;
	s0 =	simm.s32 @!p0 $0x0  }
0x12: {  	s1 =	sld [smem:$0x3F97];
	s0 =	simm.s32 @p0 $0x1  }
0x13: {  	[smem:$0x3FB2] =	sst s0;
	s0 =	simm.s32 @!p1 $0x0  }
0x14: {  	s2 =	sld [smem:$0x3F96];
	s0 =	simm.s32 @p1 $0x1  }
0x15: {  	[smem:$0x3FB3] =	sst s0;
	s0 =	simm.s32 @!p2 $0x0  }
0x16: {  	s3 =	sld [smem:$0x3FDB];
	s0 =	simm.s32 @p2 $0x1  }
0x17: {  	s4 =	simm.s32 $0x1BF5;
	[smem:$0x3FB5] =	sst s0  }
0x18: {  	s0 =	sld [smem:$0x3F98];
	_ =	swait.ge [sflag:s4], $0x0  }
0x19: {  	s7 =	sld [smem:$0x3F99]  }
0x1a: {  	s8 =	sadd.s32 $0xFFFFE003, lr  }
0x1b: {  	s9 =	sadd.s32 $0xFFFFFEF7, lr;
	s5 =	simm.s32 $0xFFFFFFFF;
	p2 =	slt.u32 s8, $0xFFFFF086  }
0x1c: {  	p1 =	slt.u32 s9, $0xF7A;
	s5 =	simm.s32 @!p2 $0x0  }
0x1d: {  	s5 =	simm.s32 @p1 $0x1;
	p0 =	seq.s32 s7, s2  }
0x1e: {  	s7 =	smul.u32 @!p0 $0xF7A, s2;
	p2 =	seq.s32 @!p0 s5, $0x0  }
0x1f: {  	s9 =	smul.u32 $0xF7A, s1;
	s8 =	simm.s32 @!p0 $0x1BF5;
	p2 =	por !p2, p0  }
0x20: {  	[sflag:s8] =	ssyncset.s32 @!p0 $0xFFFFF086;
	s6 =	sadd.s32 @!p0 s3, s7;
	s7 =	simm.s32 @!p0 $0x108  }
0x21: {  	s3 =	sadd.s32 s3, s9;
	s6 =	sadd.s32 @!p0 $0x88, s6;
	s7 =	simm.s32 @p2 $0x1082  }
0x22: {  	[simem:s7], [sflag:s8] =	dma.local @!p0 [hbm:s6], $0xF7A  }
0x23: {  	s9 =	sor.u32 $0xD0000000, s2;
	s6 =	simm.s32 $0x108;
	_ =	swait.ge @!p0 [sflag:s8], $0x0  }
0x24: {  	s3 =	sadd.s32 $0x88, s3;
	s6 =	simm.s32 @!p1 $0x1082;
	[sflag:s4] =	ssyncset.s32 $0xFFFFF086  }
0x25: {  	[simem:s6], [sflag:s4] =	dma.local [hbm:s3], $0xF7A  }
0x26: {  	[smem:$0x3F99] =	sst s1;
	(tag) =	ssettag s2;
	_ =	strace s9  }
0x27: {  	s1 =	sld [smem:$0x3FA9]  }
0x28: {  	s2 =	sld [smem:$0x3FAA]  }
0x29: {  	s4 =	sld [smem:$0x3FAC]  }
0x2a: {  	p0 =	seq.s32 s5, $0x0;
	s5 =	sld [smem:$0x3FAD]  }
0x2b: {  	s6 =	sld [smem:$0x3FAE]  }
0x2c: {  	s7 =	sld [smem:$0x3FAF]  }
0x2d: {  	s3 =	simm.s32 $0x108;
	s8 =	sld [smem:$0x3FB0]  }
0x2e: {  	s3 =	simm.s32 @!p0 $0x1082;
	s9 =	sld [smem:$0x3FB1]  }
0x2f: {  	lr =	sadd.s32 s0, s3;
	s0 =	sld [smem:$0x3FA8]  }
0x30: {  	s3 =	sld [smem:$0x3FAB]  }
0x31: {  	[smem:$0x3FB4] =	sst s10  }
0x32: {  	s10 =	sld [smem:$0x3FB2];
	_ =	sdelay $0x3  }
0x33: {  	p0 =	seq.s32 s10, $0x1;
	s10 =	sld [smem:$0x3FB4];
	_ =	sdelay $0x3  }
0x34: {  	[smem:$0x3FB4] =	sst s10  }
0x35: {  	s10 =	sld [smem:$0x3FB3];
	_ =	sdelay $0x3  }
0x36: {  	p1 =	seq.s32 s10, $0x1;
	s10 =	sld [smem:$0x3FB4];
	_ =	sdelay $0x3  }
0x37: {  	[smem:$0x3FB4] =	sst s10  }
0x38: {  	s10 =	sld [smem:$0x3FB5]  }
0x39: {  	_ = 	snop;
	(pc) =	sbr.ind lr, $3  }
0x3a: {  	_ = 	snop  }
0x3b: {  	_ = 	snop  }
0x3c: {  	p2 =	seq.s32 s10, $0x1;
	s10 =	sld [smem:$0x3FB4]  }
0x3d: {  	_ =	shalt  }
0x3e: {  	_ =	shalt  }
0x3f: {  	_ =	shalt  }
0x40: {  	_ =	shalt  }
0x41: {  	_ =	shalt  }
0x42: {  	_ =	shalt  }
0x43: {  	_ =	shalt  }
0x44: {  	_ =	shalt  }
0x45: {  	_ =	shalt  }
0x46: {  	_ =	shalt  }
0x47: {  	_ =	shalt  }
0x48: {  	_ =	shalt  }
0x49: {  	_ =	shalt  }
0x4a: {  	_ =	shalt  }
0x4b: {  	_ =	shalt  }
0x4c: {  	_ =	shalt  }
0x4d: {  	_ =	shalt  }
0x4e: {  	_ =	shalt  }
0x4f: {  	_ =	shalt  }
0x50: {  	_ =	shalt  }
0x51: {  	_ =	shalt  }
0x52: {  	_ =	shalt  }
0x53: {  	_ =	shalt  }
0x54: {  	_ =	shalt  }
0x55: {  	_ =	shalt  }
0x56: {  	_ =	shalt  }
0x57: {  	_ =	shalt  }
0x58: {  	_ =	shalt  }
0x59: {  	_ =	shalt  }
0x5a: {  	_ =	shalt  }
0x5b: {  	_ =	shalt  }
0x5c: {  	_ =	shalt  }
0x5d: {  	_ =	shalt  }
0x5e: {  	_ =	shalt  }
0x5f: {  	_ =	shalt  }
0x60: {  	_ =	shalt  }
0x61: {  	_ =	shalt  }
0x62: {  	_ =	shalt  }
0x63: {  	_ =	shalt  }
0x64: {  	_ =	shalt  }
0x65: {  	_ =	shalt  }
0x66: {  	_ =	shalt  }
0x67: {  	_ =	shalt  }
0x68: {  	_ =	shalt  }
0x69: {  	_ =	shalt  }
0x6a: {  	_ =	shalt  }
0x6b: {  	_ =	shalt  }
0x6c: {  	_ =	shalt  }
0x6d: {  	_ =	shalt  }
0x6e: {  	_ =	shalt  }
0x6f: {  	_ =	shalt  }
0x70: {  	_ =	shalt  }
0x71: {  	_ =	shalt  }
0x72: {  	_ =	shalt  }
0x73: {  	_ =	shalt  }
0x74: {  	_ =	shalt  }
0x75: {  	_ =	shalt  }
0x76: {  	_ =	shalt  }
0x77: {  	_ =	shalt  }
0x78: {  	_ =	shalt  }
0x79: {  	_ =	shalt  }
0x7a: {  	_ =	shalt  }
0x7b: {  	_ =	shalt  }
0x7c: {  	_ =	shalt  }
0x7d: {  	_ =	shalt  }
0x7e: {  	_ =	shalt  }
0x7f: {  	_ =	shalt  }
0x80: {  	_ =	shalt  }
0x81: {  	_ =	shalt  }
0x82: {  	_ =	shalt  }
0x83: {  	_ =	shalt  }
0x84: {  	_ =	shalt  }
0x85: {  	_ =	shalt  }
0x86: {  	_ =	shalt  }
0x87: {  	_ =	shalt  }
.Lfunc_end0:
.L_simem_size_0:
called_computation.1_lowered:
.L_overlay_start_0:
0x88: {  	s2 =	sld [smem:$0x3FD9]  }
0x89: {  	s3 =	sld [smem:$0x3FFE];
	_ =	sdelay $0x1  }
0x8a: {  	s1 =	srdreg.scid  }
0x8b: {  	s0 =	sand.u32 $0x1, s1  }
0x8c: {  	s17 =	sshll.u32 s0, $0xA;
	s2 =	sadd.s32 s3, s2  }
0x8d: {  	s2 =	sadd.s32 s2, s17  }
0x8e: {  	[smem:$0x3FC0] =	sst s2  }
0x8f: {  	_ = 	snop  }
0x90: {  	s2 =	sld [smem:$0x3FD0];
	(tm) =	ssettm $0x1  }
0x91: {  	s18 =	sld [smem:$0x3FFB];
	_ =	sdelay $0x3  }
0x92: {  	_ =	strace s18  }
0x93: {  	s3 =	sld [smem:$0x3FFC];
	_ =	sdelay $0x3  }
0x94: {  	_ =	strace s3  }
0x95: {  	s3 =	sld [smem:$0x3FFD];
	_ =	sdelay $0x3  }
0x96: {  	_ =	strace s3  }
0x97: {  	_ =	strace $0x8FFFFFFF  }
0x98: {  	s19 =	sld [smem:$0x3FDB];
	_ =	sdelay $0x1  }
0x99: {  	s4 =	simm.s32 $_scs_section_size  }
0x9a: {  	s5 =	simm.s32 $_size__tile_overlayer_lowered;
	s6 =	simm.s32 $_tile_overlayer_lowered  }
0x9b: {  	s22 =	simm.s32 $0x1BFF;
	s21 =	sshll.u32 s6, $0x1;
	s3 =	sadd.s32 s4, s19  }
0x9c: {  	s7 =	simm.s32 $0x0;
	s20 =	sshll.u32 s5, $0x1;
	s5 =	sadd.s32 s21, s3  }
0x9d: {  	[timem:s7], [sflag:s22] =	dma.local [hbm:s5], s20  }
0x9e: {  	_ =	swait.ge [sflag:s22], s20  }
0x9f: {  	s4 =	ssub.s32 $0x0, s20;
	[sflag:s22] =	ssyncset.done $0x0  }
0xa0: {  	[sflag:s22] =	ssyncadd.s32 s4;
	_ =	sdelay $0x1  }
0xa1: {  	s23 =	simm.s32 $0x1B8B  }
0xa2: {  	_ =	swait.ge [sflag:s23], $0x1  }
0xa3: {  	[sflag:s23] =	ssyncset.done $0x0  }
0xa4: {  	s25 =	simm.s32 $0x1B8E;
	s24 =	sld [smem:$0x3FFE];
	[sflag:s23] =	ssyncadd.s32 $0xFFFFFFFF  }
0xa5: {  	s26 =	simm.s32 $execute0_lowered;
	[smem:$0x3FD2] =	sst s25  }
0xa6: {  	s5 =	sshll.u32 s26, $0x1;
	_ =	strace $0x80000049;
	[dreg:$0x1] =	wrdreg $0xFFFFFFFF  }
0xa7: {  	s28 =	simm.s32 $_size_execute0_lowered;
	s3 =	sadd.s32 s3, s5;
	[dreg:$0x0] =	wrdreg $0x0  }
0xa8: {  	s5 =	sshll.u32 s28, $0x1;
	[dreg:$0x2] =	wrdreg s3  }
0xa9: {  	[dreg:$0x3] =	wrdreg s5  }
0xaa: {  	[dreg:$0x4] =	wrdreg $0xC0  }
0xab: {  	_ =	task [dreg:s7], $0x5FFFF  }
0xac: {  	[dreg:$0x1] =	wrdreg $0xFFFFFFFF  }
0xad: {  	[dreg:$0x0] =	wrdreg $0x60  }
0xae: {  	[dreg:$0x2] =	wrdreg s24  }
0xaf: {  	[dreg:$0x3] =	wrdreg s2  }
0xb0: {  	[dreg:$0x4] =	wrdreg $0x0  }
0xb1: {  	[dreg:$0x5] =	wrdreg $0x9  }
0xb2: {  	_ =	task.clear_ibuf [dreg:s7], $0x6FFFF;
	_ =	strace $0x90000049  }
0xb3: {  	s29 =	simm.s32 $0x9;
	_ =	strace $0x8000004B  }
0xb4: {  	_ =	swait.ge [sflag:s29], $0x1  }
0xb5: {  	[sflag:s29] =	ssyncadd.s32 $0xFFFFFFFF  }
0xb6: {  	_ =	strace $0x9000004B  }
0xb7: {  	_ =	sfence  }
0xb8: {  	s30 =	sld [smem:$0x0];
	_ =	sdelay $0x2  }
0xb9: {  	s31 =	sshll.u32 s1, $0xD;
	s1 =	sshrl.u32 s1, $0x2  }
0xba: {  	s3 =	sand.u32 $0x4000, s31;
	s1 =	sadd.s32 s1, s30  }
0xbb: {  	s0 =	sor.u32 s3, s0;
	s1 =	sshll.u32 s1, $0x11  }
0xbc: {  	s0 =	sor.u32 s1, s0  }
0xbd: {  	s0 =	sadd.s32 $0x8F2B, s0  }
0xbe: {  	[sflag:s0] =	ssyncadd.remote.s32 $0x1  }
0xbf: {  	_ =	sfence.sel $0xFFFF  }
0xc0: {  	[dreg:$0x0] =	wrdreg $0xFFFFFFFF;
	(pc) =	sbr.abs _section_cstart, $3  }
0xc1: {  	[dreg:$0x1] =	wrdreg $0xFFFFFFFF  }
0xc2: {  	_ =	task.clear_ibuf [dreg:s7], $0x2FFFF;
	_ =	strace $0x9FFFFFFF  }
0xc3: {  	(tm) =	ssettm $0x7FFFFFFF  }
tec
execute0_lowered:
.L_overlay_start_1:
0x0: {  	(tag) =	ssettag $0x1  }
0x1: {  	s5 =	rddreg [dreg:$0x0]  }
0x2: {  	s9 =	rddreg [dreg:$0x1];
	s0 =	stileid.u32  }
0x3: {  	s1 =	srdreg.scid;
	s2 =	rddreg [dreg:$0x2]  }
0x4: {  	s3 =	simm.s32 $0x0;
	s16 =	simm.s32 $0x15400;
	s17 =	simm.s32 $0x80  }
0x5: {  	s18 =	simm.s32 $0x16800;
	s19 =	simm.s32 $0x1A800;
	s20 =	simm.s32 $0x1  }
0x6: {  	s21 =	simm.s32 $0x2;
	s22 =	simm.s32 $0x15380;
	s6 =	smul.u32 $0x500, s0  }
0x7: {  	s23 =	simm.s32 $0x16700;
	s24 =	simm.s32 $0x16780;
	s10 =	smul.u32 $0x280, s0  }
0x8: {  	s7 =	sand.u32 $0x1, s1;
	s1 =	rddreg [dreg:$0x3];
	s26 =	smul.u32 $0x50000, s0  }
0x9: {  	[smem:$0x7FF] =	sst s3;
	s4 =	sadd.s32 $0x30000, s5;
	s13 =	smul.u32 $0x50, s0  }
0xa: {  	s29 =	sshll.u32 s0, $0x6;
	s8 =	smul.u32 $0x2800, s7;
	_ =	strace $0x8000004A  }
0xb: {  	s28 =	ssub.s32 $0x2, s7;
	s7 =	smul.u32 $0x500, s7;
	s12 =	sadd.s32 s6, s5  }
0xc: {  	s11 =	sshrl.u32 s28, $0x1;
	s25 =	sadd.s32 s10, s8;
	s8 =	sshrl.u32 s26, $0x2  }
0xd: {  	s10 =	ssub.s32 s28, s11;
	s30 =	sadd.s32 s13, s7;
	s6 =	sshll.u32 s25, $0x4  }
0xe: {  	s15 =	sadd.s32 s8, s2;
	s31 =	sshll.u32 s30, $0x4;
	s8 =	smax.u32 s10, $0x1  }
0xf: {  	s10 =	sadd.s32 $0x3000, s12;
	s12 =	sadd.s32 $0x3280, s12;
	s25 =	simm.s32 $0x0  }
0x10: {  	s14 =	sadd.s32 s6, s5;
	s5 =	sadd.s32 s4, s6;
	s6 =	sor.u32 $0x1C03, s29  }
0x11: {  	s9 =	sadd.s32 s9, s31;
	s13 =	sshrl.u32 s15, $0x3;
	s15 =	simm.s32 $0x14000  }
0x12: {  	s7 =	sadd.s32 $0x85800, s14;
	s11 =	sadd.s32 $0x280, s9;
	s14 =	simm.s32 $0x3  }
.LBB2_1:
0x13: {  	[spmem:s13], [sflag:s6] =	dma.local [hbm:s5], $0x2800  }
0x14: {  	_ =	swait.ge [sflag:s14], $0x2800  }
0x15: {  	[sflag:s14] =	ssyncset.done $0x0  }
0x16: {  	[sflag:s14] =	ssyncadd.s32 $0xFFFFD800  }
0x17: {  	[bflag:$0x0] =	sbarrier.arrive $0xFFFF  }
0x18: {  	[tilespmem:s15], [sflag:$0x3] =	stream.linear.gather [hbm4b:s9+s3], $0x1400, $0x38;
	[tilespmem:$0x1E800] =	vst v63  }
0x19: {  	_ =	swait.ge [sflag:s14], $0x1400  }
0x1a: {  	[sflag:s14] =	ssyncset.done $0x0  }
0x1b: {  	[sflag:s14] =	ssyncadd.s32 $0xFFFFEC00  }
0x1c: {  	[tilespmem:s16], [sflag:$0x3] =	stream.linear.gather [hbm4b:s10+s3], $0x1400, $0x38;
	[tilespmem:$0x1E800] =	vst v63  }
0x1d: {  	_ =	swait.ge [sflag:s14], $0x1400  }
0x1e: {  	[sflag:s14] =	ssyncset.done $0x0  }
0x1f: {  	[sflag:s14] =	ssyncadd.s32 $0xFFFFEC00  }
0x20: {  	[tilespmem:s18], [sflag:$0x1] =	stream.indirect.gather [hbm4b:s4+s17], $0x80, s15, s17, $0xb8;
	[tilespmem:$0x1E800] =	vst v63  }
0x21: {  	s26 =	simm.s32 $0x14080  }
0x22: {  	[tilespmem:s19], [sflag:$0x2] =	stream.indirect.gather [hbm4b:s4+s17], $0x80, s26, s17, $0xb8;
	[tilespmem:$0x1E800] =	vst v63  }
0x23: {  	_ =	swait.ge [sflag:s20], $0x4000  }
0x24: {  	[sflag:s20] =	ssyncset.done $0x0  }
0x25: {  	s29 =	simm.s32 $0x15400;
	[sflag:s20] =	ssyncadd.s32 $0xFFFFC000  }
0x26: {  	[spmem:s2] =	stream.indirect.scatter.add.f32 [tilespmem:s18], [sflag:$0x3], $0x80, s29, s17, $0xb8;
	[tilespmem:$0x1E800] =	vst v63  }
0x27: {  	_ =	swait.ge [sflag:s14], $0x4000  }
0x28: {  	[sflag:s14] =	ssyncset.done $0x0  }
0x29: {  	s30 =	simm.s32 $0x14100;
	[sflag:s14] =	ssyncadd.s32 $0xFFFFC000  }
0x2a: {  	[tilespmem:s18], [sflag:$0x1] =	stream.indirect.gather [hbm4b:s4+s17], $0x80, s30, s17, $0xb8;
	[tilespmem:$0x1E800] =	vst v63  }
0x2b: {  	_ =	swait.ge [sflag:s21], $0x4000  }
0x2c: {  	[sflag:s21] =	ssyncset.done $0x0  }
0x2d: {  	s31 =	simm.s32 $0x15480;
	[sflag:s21] =	ssyncadd.s32 $0xFFFFC000  }
0x2e: {  	[spmem:s2] =	stream.indirect.scatter.add.f32 [tilespmem:s19], [sflag:$0x3], $0x80, s31, s17, $0xb8;
	[tilespmem:$0x1E800] =	vst v63  }
0x2f: {  	_ =	swait.ge [sflag:s14], $0x4000  }
0x30: {  	s28 =	simm.s32 $0x800;
	s26 =	simm.s32 $0x100;
	[sflag:s14] =	ssyncset.done $0x0  }
.LBB2_2:
0x31: {  	s29 =	sadd.s32 $0x14080, s26  }
0x32: {  	[sflag:s14] =	ssyncadd.s32 $0xFFFFC000;
	s30 =	smov.u32 s28;
	s31 =	sadd.s32 $0x400, s28  }
0x33: {  	[tilespmem:s19], [sflag:$0x2] =	stream.indirect.gather [hbm4b:s4+s17], $0x80, s29, s17, $0xb8;
	[tilespmem:$0x1E800] =	vst v63  }
0x34: {  	p0 =	sne.s32 s28, $0x4800;
	_ =	swait.ge [sflag:s20], $0x4000  }
0x35: {  	[sflag:s20] =	ssyncset.done $0x0  }
0x36: {  	s28 =	sadd.s32 $0x15400, s26;
	[sflag:s20] =	ssyncadd.s32 $0xFFFFC000  }
0x37: {  	[spmem:s2] =	stream.indirect.scatter.add.f32 [tilespmem:s18], [sflag:$0x3], $0x80, s28, s17, $0xb8;
	[tilespmem:$0x1E800] =	vst v63  }
0x38: {  	_ =	swait.ge [sflag:s14], $0x4000  }
0x39: {  	[sflag:s14] =	ssyncset.done $0x0  }
0x3a: {  	s28 =	sadd.s32 $0x14100, s26;
	[sflag:s14] =	ssyncadd.s32 $0xFFFFC000  }
0x3b: {  	[tilespmem:s18], [sflag:$0x1] =	stream.indirect.gather [hbm4b:s4+s17], $0x80, s28, s17, $0xb8;
	[tilespmem:$0x1E800] =	vst v63  }
0x3c: {  	_ =	swait.ge [sflag:s21], $0x4000  }
.Ltmp0:
0x3d: {  	[sflag:s21] =	ssyncset.done $0x0;
	(pc) =	sbr.rel @p0 .LBB2_2-.Ltmp0, $4  }
0x3e: {  	s26 =	sadd.s32 $0x15480, s26;
	[sflag:s21] =	ssyncadd.s32 $0xFFFFC000  }
0x3f: {  	[spmem:s2] =	stream.indirect.scatter.add.f32 [tilespmem:s19], [sflag:$0x3], $0x80, s26, s17, $0xb8;
	[tilespmem:$0x1E800] =	vst v63  }
0x40: {  	_ =	swait.ge [sflag:s14], $0x4000  }
0x41: {  	s28 =	smov.u32 s31;
	s26 =	sshra.s32 s30, $0x2;
	[sflag:s14] =	ssyncset.done $0x0  }
0x42: {  	s28 =	sadd.s32 $0x14080, s26;
	[sflag:s14] =	ssyncadd.s32 $0xFFFFC000  }
0x43: {  	[tilespmem:s19], [sflag:$0x2] =	stream.indirect.gather [hbm4b:s4+s17], $0x80, s28, s17, $0xb8;
	[tilespmem:$0x1E800] =	vst v63  }
0x44: {  	_ =	swait.ge [sflag:s20], $0x4000  }
0x45: {  	[sflag:s20] =	ssyncset.done $0x0  }
0x46: {  	s28 =	sadd.s32 $0x15400, s26;
	[sflag:s20] =	ssyncadd.s32 $0xFFFFC000  }
0x47: {  	[spmem:s2] =	stream.indirect.scatter.add.f32 [tilespmem:s18], [sflag:$0x3], $0x80, s28, s17, $0xb8;
	[tilespmem:$0x1E800] =	vst v63  }
0x48: {  	_ =	swait.ge [sflag:s14], $0x4000  }
0x49: {  	[sflag:s14] =	ssyncset.done $0x0  }
0x4a: {  	s28 =	sadd.s32 $0x14100, s26;
	[sflag:s14] =	ssyncadd.s32 $0xFFFFC000  }
0x4b: {  	[tilespmem:s18], [sflag:$0x1] =	stream.indirect.gather [hbm4b:s4+s17], $0x80, s28, s17, $0xb8;
	[tilespmem:$0x1E800] =	vst v63  }
0x4c: {  	_ =	swait.ge [sflag:s21], $0x4000  }
0x4d: {  	[sflag:s21] =	ssyncset.done $0x0  }
0x4e: {  	s29 =	sadd.s32 $0x15480, s26;
	[sflag:s21] =	ssyncadd.s32 $0xFFFFC000  }
0x4f: {  	[spmem:s2] =	stream.indirect.scatter.add.f32 [tilespmem:s19], [sflag:$0x3], $0x80, s29, s17, $0xb8;
	[tilespmem:$0x1E800] =	vst v63  }
0x50: {  	_ =	swait.ge [sflag:s14], $0x4000  }
0x51: {  	[sflag:s14] =	ssyncset.done $0x0  }
0x52: {  	[sflag:s14] =	ssyncadd.s32 $0xFFFFC000  }
0x53: {  	[tilespmem:s19], [sflag:$0x2] =	stream.indirect.gather [hbm4b:s4+s17], $0x80, s22, s17, $0xb8;
	[tilespmem:$0x1E800] =	vst v63  }
0x54: {  	_ =	swait.ge [sflag:s20], $0x4000  }
0x55: {  	[sflag:s20] =	ssyncset.done $0x0  }
0x56: {  	[sflag:s20] =	ssyncadd.s32 $0xFFFFC000  }
0x57: {  	[spmem:s2] =	stream.indirect.scatter.add.f32 [tilespmem:s18], [sflag:$0x3], $0x80, s23, s17, $0xb8;
	[tilespmem:$0x1E800] =	vst v63  }
0x58: {  	_ =	swait.ge [sflag:s14], $0x4000  }
0x59: {  	[sflag:s14] =	ssyncset.done $0x0  }
0x5a: {  	[sflag:s14] =	ssyncadd.s32 $0xFFFFC000  }
0x5b: {  	_ =	swait.ge [sflag:s21], $0x4000  }
0x5c: {  	[sflag:s21] =	ssyncset.done $0x0  }
0x5d: {  	[sflag:s21] =	ssyncadd.s32 $0xFFFFC000  }
0x5e: {  	[spmem:s2] =	stream.indirect.scatter.add.f32 [tilespmem:s19], [sflag:$0x3], $0x80, s24, s17, $0xb8;
	[tilespmem:$0x1E800] =	vst v63  }
0x5f: {  	_ =	swait.ge [sflag:s14], $0x4000  }
0x60: {  	[sflag:s14] =	ssyncset.done $0x0  }
0x61: {  	s30 =	simm.s32 $0x0;
	[sflag:s14] =	ssyncadd.s32 $0xFFFFC000  }
0x62: {  	[tilespmem:s15], [sflag:$0x3] =	stream.linear.gather [hbm4b:s11+s30], $0x1400, $0x38;
	[tilespmem:$0x1E800] =	vst v63  }
0x63: {  	_ =	swait.ge [sflag:s14], $0x1400  }
0x64: {  	[sflag:s14] =	ssyncset.done $0x0  }
0x65: {  	[sflag:s14] =	ssyncadd.s32 $0xFFFFEC00  }
0x66: {  	[tilespmem:s16], [sflag:$0x3] =	stream.linear.gather [hbm4b:s12+s30], $0x1400, $0x38;
	[tilespmem:$0x1E800] =	vst v63  }
0x67: {  	_ =	swait.ge [sflag:s14], $0x1400  }
0x68: {  	[sflag:s14] =	ssyncset.done $0x0  }
0x69: {  	[sflag:s14] =	ssyncadd.s32 $0xFFFFEC00  }
0x6a: {  	[tilespmem:s18], [sflag:$0x1] =	stream.indirect.gather [hbm4b:s4+s17], $0x80, s15, s17, $0xb8;
	[tilespmem:$0x1E800] =	vst v63  }
0x6b: {  	s31 =	simm.s32 $0x14080  }
0x6c: {  	[tilespmem:s19], [sflag:$0x2] =	stream.indirect.gather [hbm4b:s4+s17], $0x80, s31, s17, $0xb8;
	[tilespmem:$0x1E800] =	vst v63  }
0x6d: {  	_ =	swait.ge [sflag:s20], $0x4000  }
0x6e: {  	[sflag:s20] =	ssyncset.done $0x0  }
0x6f: {  	s29 =	simm.s32 $0x15400;
	[sflag:s20] =	ssyncadd.s32 $0xFFFFC000  }
0x70: {  	[spmem:s2] =	stream.indirect.scatter.add.f32 [tilespmem:s18], [sflag:$0x3], $0x80, s29, s17, $0xb8;
	[tilespmem:$0x1E800] =	vst v63  }
0x71: {  	_ =	swait.ge [sflag:s14], $0x4000  }
0x72: {  	[sflag:s14] =	ssyncset.done $0x0  }
0x73: {  	s30 =	simm.s32 $0x14100;
	[sflag:s14] =	ssyncadd.s32 $0xFFFFC000  }
0x74: {  	[tilespmem:s18], [sflag:$0x1] =	stream.indirect.gather [hbm4b:s4+s17], $0x80, s30, s17, $0xb8;
	[tilespmem:$0x1E800] =	vst v63  }
0x75: {  	_ =	swait.ge [sflag:s21], $0x4000  }
0x76: {  	[sflag:s21] =	ssyncset.done $0x0  }
0x77: {  	s31 =	simm.s32 $0x15480;
	[sflag:s21] =	ssyncadd.s32 $0xFFFFC000  }
0x78: {  	[spmem:s2] =	stream.indirect.scatter.add.f32 [tilespmem:s19], [sflag:$0x3], $0x80, s31, s17, $0xb8;
	[tilespmem:$0x1E800] =	vst v63  }
0x79: {  	_ =	swait.ge [sflag:s14], $0x4000  }
0x7a: {  	s26 =	simm.s32 $0x100;
	s28 =	simm.s32 $0x800;
	[sflag:s14] =	ssyncset.done $0x0  }
.LBB2_4:
0x7b: {  	s29 =	sadd.s32 $0x14080, s26  }
0x7c: {  	[sflag:s14] =	ssyncadd.s32 $0xFFFFC000;
	s30 =	smov.u32 s28;
	s31 =	sadd.s32 $0x400, s28  }
0x7d: {  	[tilespmem:s19], [sflag:$0x2] =	stream.indirect.gather [hbm4b:s4+s17], $0x80, s29, s17, $0xb8;
	[tilespmem:$0x1E800] =	vst v63  }
0x7e: {  	p0 =	sne.s32 s28, $0x4800;
	_ =	swait.ge [sflag:s20], $0x4000  }
0x7f: {  	[sflag:s20] =	ssyncset.done $0x0  }
0x80: {  	s28 =	sadd.s32 $0x15400, s26;
	[sflag:s20] =	ssyncadd.s32 $0xFFFFC000  }
0x81: {  	[spmem:s2] =	stream.indirect.scatter.add.f32 [tilespmem:s18], [sflag:$0x3], $0x80, s28, s17, $0xb8;
	[tilespmem:$0x1E800] =	vst v63  }
0x82: {  	_ =	swait.ge [sflag:s14], $0x4000  }
0x83: {  	[sflag:s14] =	ssyncset.done $0x0  }
0x84: {  	s28 =	sadd.s32 $0x14100, s26;
	[sflag:s14] =	ssyncadd.s32 $0xFFFFC000  }
0x85: {  	[tilespmem:s18], [sflag:$0x1] =	stream.indirect.gather [hbm4b:s4+s17], $0x80, s28, s17, $0xb8;
	[tilespmem:$0x1E800] =	vst v63  }
0x86: {  	_ =	swait.ge [sflag:s21], $0x4000  }
.Ltmp1:
0x87: {  	[sflag:s21] =	ssyncset.done $0x0;
	(pc) =	sbr.rel @p0 .LBB2_4-.Ltmp1, $4  }
0x88: {  	s26 =	sadd.s32 $0x15480, s26;
	[sflag:s21] =	ssyncadd.s32 $0xFFFFC000  }
0x89: {  	[spmem:s2] =	stream.indirect.scatter.add.f32 [tilespmem:s19], [sflag:$0x3], $0x80, s26, s17, $0xb8;
	[tilespmem:$0x1E800] =	vst v63  }
0x8a: {  	_ =	swait.ge [sflag:s14], $0x4000  }
0x8b: {  	s28 =	smov.u32 s31;
	s26 =	sshra.s32 s30, $0x2;
	[sflag:s14] =	ssyncset.done $0x0  }
0x8c: {  	s28 =	sadd.s32 $0x14080, s26;
	[sflag:s14] =	ssyncadd.s32 $0xFFFFC000  }
0x8d: {  	[tilespmem:s19], [sflag:$0x2] =	stream.indirect.gather [hbm4b:s4+s17], $0x80, s28, s17, $0xb8;
	[tilespmem:$0x1E800] =	vst v63  }
0x8e: {  	_ =	swait.ge [sflag:s20], $0x4000  }
0x8f: {  	[sflag:s20] =	ssyncset.done $0x0  }
0x90: {  	s29 =	sadd.s32 $0x15400, s26;
	[sflag:s20] =	ssyncadd.s32 $0xFFFFC000  }
0x91: {  	[spmem:s2] =	stream.indirect.scatter.add.f32 [tilespmem:s18], [sflag:$0x3], $0x80, s29, s17, $0xb8;
	[tilespmem:$0x1E800] =	vst v63  }
0x92: {  	_ =	swait.ge [sflag:s14], $0x4000  }
0x93: {  	[sflag:s14] =	ssyncset.done $0x0  }
0x94: {  	s30 =	sadd.s32 $0x14100, s26;
	[sflag:s14] =	ssyncadd.s32 $0xFFFFC000  }
0x95: {  	[tilespmem:s18], [sflag:$0x1] =	stream.indirect.gather [hbm4b:s4+s17], $0x80, s30, s17, $0xb8;
	[tilespmem:$0x1E800] =	vst v63  }
0x96: {  	_ =	swait.ge [sflag:s21], $0x4000  }
0x97: {  	[sflag:s21] =	ssyncset.done $0x0  }
0x98: {  	s31 =	sadd.s32 $0x15480, s26;
	[sflag:s21] =	ssyncadd.s32 $0xFFFFC000  }
0x99: {  	[spmem:s2] =	stream.indirect.scatter.add.f32 [tilespmem:s19], [sflag:$0x3], $0x80, s31, s17, $0xb8;
	[tilespmem:$0x1E800] =	vst v63  }
0x9a: {  	_ =	swait.ge [sflag:s14], $0x4000  }
0x9b: {  	[sflag:s14] =	ssyncset.done $0x0  }
0x9c: {  	[sflag:s14] =	ssyncadd.s32 $0xFFFFC000  }
0x9d: {  	[tilespmem:s19], [sflag:$0x2] =	stream.indirect.gather [hbm4b:s4+s17], $0x80, s22, s17, $0xb8;
	[tilespmem:$0x1E800] =	vst v63  }
0x9e: {  	_ =	swait.ge [sflag:s20], $0x4000  }
0x9f: {  	[sflag:s20] =	ssyncset.done $0x0  }
0xa0: {  	[sflag:s20] =	ssyncadd.s32 $0xFFFFC000  }
0xa1: {  	[spmem:s2] =	stream.indirect.scatter.add.f32 [tilespmem:s18], [sflag:$0x3], $0x80, s23, s17, $0xb8;
	[tilespmem:$0x1E800] =	vst v63  }
0xa2: {  	_ =	swait.ge [sflag:s14], $0x4000  }
0xa3: {  	[sflag:s14] =	ssyncset.done $0x0  }
0xa4: {  	[sflag:s14] =	ssyncadd.s32 $0xFFFFC000  }
0xa5: {  	_ =	swait.ge [sflag:s21], $0x4000  }
0xa6: {  	[sflag:s21] =	ssyncset.done $0x0  }
0xa7: {  	[sflag:s21] =	ssyncadd.s32 $0xFFFFC000  }
0xa8: {  	[spmem:s2] =	stream.indirect.scatter.add.f32 [tilespmem:s19], [sflag:$0x3], $0x80, s24, s17, $0xb8;
	[tilespmem:$0x1E800] =	vst v63  }
0xa9: {  	_ =	swait.ge [sflag:s14], $0x4000  }
0xaa: {  	s25 =	sadd.s32 $0x1, s25;
	[sflag:s14] =	ssyncset.done $0x0  }
0xab: {  	p0 =	sne.s32 s25, s8;
	[sflag:s14] =	ssyncadd.s32 $0xFFFFC000  }
.Ltmp2:
0xac: {  	[bflag:$0x0] =	sbarrier.arrive $0xFFFF;
	(pc) =	sbr.rel @p0 .LBB2_1-.Ltmp2, $4  }
0xad: {  	[hbm:s7], [sflag:s6] =	dma.local [spmem:s13], $0x2800  }
0xae: {  	_ =	swait.ge [sflag:s14], $0x2800  }
0xaf: {  	[sflag:s14] =	ssyncset.done $0x0  }
0xb0: {  	[sflag:s14] =	ssyncadd.s32 $0xFFFFD800  }
0xb1: {  	_ =	sfence.sel $0x180000  }
0xb2: {  	[bflag:$0x0] =	sbarrier.arrive $0xFFFF  }
0xb3: {  	p0 =	sne.s32 s0, $0x0;
	_ =	strace $0x9000004A  }
0xb4: {  	s0 =	sadd.s32 @!p0 $0x100000, s1;
	[bflag:$0x2] =	sbarrier.arrive $0xFFFF  }
0xb5: {  	[sflag:s0] =	ssyncadd.tile.s32 @!p0 $0x1;
	_ =	shalt  }
.Lfunc_end2:
_tile_overlayer_lowered:
.L_overlay_start_2:
0xb6: {  	(tag) =	ssettag $0x2  }
0xb7: {  	s0 =	rddreg [dreg:$0x0];
	s2 =	stileid.u32  }
0xb8: {  	s1 =	rddreg [dreg:$0x1];
	p0 =	sne.s32 s2, $0x0  }
0xb9: {  	s3 =	rddreg [dreg:$0x2];
	[bflag:$0x3] =	sbarrier.arrive $0xFFFF;
	s2 =	simm.s32 @!p0 $0x1C03  }
0xba: {  	[timem:s3], [sflag:s2] =	dma.local @!p0 [hbm:s0], s1  }
0xbb: {  	s0 =	simm.s32 @!p0 $0x3  }
0xbc: {  	_ =	swait.ge @!p0 [sflag:s0], s1  }
0xbd: {  	s1 =	ssub.s32 @!p0 $0x0, s1;
	[sflag:s0] =	ssyncset.done @!p0 $0x0  }
0xbe: {  	[sflag:s0] =	ssyncadd.s32 @!p0 s1  }
0xbf: {  	[bflag:$0x3] =	sbarrier.arrive $0xFFFF  }
0xc0: {  	_ =	shalt  }

// kernel: kernel.16.cloned.1.call-start
scs
__scs_entry_jumppad:
0x0: {  	(pc) =	sbr.rel $0x88, $3  }
0x1: {  	(tag) =	ssettag $0x0;
	lr =	simm.s32 $0x1  }
0x2: {  	[smem:$0x3F99] =	sst lr;
	_ =	strace $0xD0000000  }
0x3: {  	_ = 	snop  }
0x4: {  	_ = 	snop  }
0x5: {  	_ = 	snop  }
0x6: {  	_ = 	snop  }
0x7: {  	_ = 	snop  }
__scs_overlays_trampoline_lowered:
0x8: {  	[smem:$0x3FA8] =	sst s0  }
0x9: {  	[smem:$0x3FA9] =	sst s1  }
0xa: {  	[smem:$0x3FAA] =	sst s2  }
0xb: {  	[smem:$0x3FAB] =	sst s3  }
0xc: {  	[smem:$0x3FAC] =	sst s4  }
0xd: {  	[smem:$0x3FAD] =	sst s5  }
0xe: {  	[smem:$0x3FAE] =	sst s6  }
0xf: {  	[smem:$0x3FAF] =	sst s7  }
0x10: {  	[smem:$0x3FB0] =	sst s8  }
0x11: {  	[smem:$0x3FB1] =	sst s9;
	s0 =	simm.s32 @!p0 $0x0  }
0x12: {  	s1 =	sld [smem:$0x3F97];
	s0 =	simm.s32 @p0 $0x1  }
0x13: {  	[smem:$0x3FB2] =	sst s0;
	s0 =	simm.s32 @!p1 $0x0  }
0x14: {  	s2 =	sld [smem:$0x3F96];
	s0 =	simm.s32 @p1 $0x1  }
0x15: {  	[smem:$0x3FB3] =	sst s0;
	s0 =	simm.s32 @!p2 $0x0  }
0x16: {  	s3 =	sld [smem:$0x3FDB];
	s0 =	simm.s32 @p2 $0x1  }
0x17: {  	s4 =	simm.s32 $0x1BF5;
	[smem:$0x3FB5] =	sst s0  }
0x18: {  	s0 =	sld [smem:$0x3F98];
	_ =	swait.ge [sflag:s4], $0x0  }
0x19: {  	s7 =	sld [smem:$0x3F99]  }
0x1a: {  	s8 =	sadd.s32 $0xFFFFE003, lr  }
0x1b: {  	s9 =	sadd.s32 $0xFFFFFEF7, lr;
	s5 =	simm.s32 $0xFFFFFFFF;
	p2 =	slt.u32 s8, $0xFFFFF086  }
0x1c: {  	p1 =	slt.u32 s9, $0xF7A;
	s5 =	simm.s32 @!p2 $0x0  }
0x1d: {  	s5 =	simm.s32 @p1 $0x1;
	p0 =	seq.s32 s7, s2  }
0x1e: {  	s7 =	smul.u32 @!p0 $0xF7A, s2;
	p2 =	seq.s32 @!p0 s5, $0x0  }
0x1f: {  	s9 =	smul.u32 $0xF7A, s1;
	s8 =	simm.s32 @!p0 $0x1BF5;
	p2 =	por !p2, p0  }
0x20: {  	[sflag:s8] =	ssyncset.s32 @!p0 $0xFFFFF086;
	s6 =	sadd.s32 @!p0 s3, s7;
	s7 =	simm.s32 @!p0 $0x108  }
0x21: {  	s3 =	sadd.s32 s3, s9;
	s6 =	sadd.s32 @!p0 $0x88, s6;
	s7 =	simm.s32 @p2 $0x1082  }
0x22: {  	[simem:s7], [sflag:s8] =	dma.local @!p0 [hbm:s6], $0xF7A  }
0x23: {  	s9 =	sor.u32 $0xD0000000, s2;
	s6 =	simm.s32 $0x108;
	_ =	swait.ge @!p0 [sflag:s8], $0x0  }
0x24: {  	s3 =	sadd.s32 $0x88, s3;
	s6 =	simm.s32 @!p1 $0x1082;
	[sflag:s4] =	ssyncset.s32 $0xFFFFF086  }
0x25: {  	[simem:s6], [sflag:s4] =	dma.local [hbm:s3], $0xF7A  }
0x26: {  	[smem:$0x3F99] =	sst s1;
	(tag) =	ssettag s2;
	_ =	strace s9  }
0x27: {  	s1 =	sld [smem:$0x3FA9]  }
0x28: {  	s2 =	sld [smem:$0x3FAA]  }
0x29: {  	s4 =	sld [smem:$0x3FAC]  }
0x2a: {  	p0 =	seq.s32 s5, $0x0;
	s5 =	sld [smem:$0x3FAD]  }
0x2b: {  	s6 =	sld [smem:$0x3FAE]  }
0x2c: {  	s7 =	sld [smem:$0x3FAF]  }
0x2d: {  	s3 =	simm.s32 $0x108;
	s8 =	sld [smem:$0x3FB0]  }
0x2e: {  	s3 =	simm.s32 @!p0 $0x1082;
	s9 =	sld [smem:$0x3FB1]  }
0x2f: {  	lr =	sadd.s32 s0, s3;
	s0 =	sld [smem:$0x3FA8]  }
0x30: {  	s3 =	sld [smem:$0x3FAB]  }
0x31: {  	[smem:$0x3FB4] =	sst s10  }
0x32: {  	s10 =	sld [smem:$0x3FB2];
	_ =	sdelay $0x3  }
0x33: {  	p0 =	seq.s32 s10, $0x1;
	s10 =	sld [smem:$0x3FB4];
	_ =	sdelay $0x3  }
0x34: {  	[smem:$0x3FB4] =	sst s10  }
0x35: {  	s10 =	sld [smem:$0x3FB3];
	_ =	sdelay $0x3  }
0x36: {  	p1 =	seq.s32 s10, $0x1;
	s10 =	sld [smem:$0x3FB4];
	_ =	sdelay $0x3  }
0x37: {  	[smem:$0x3FB4] =	sst s10  }
0x38: {  	s10 =	sld [smem:$0x3FB5]  }
0x39: {  	_ = 	snop;
	(pc) =	sbr.ind lr, $3  }
0x3a: {  	_ = 	snop  }
0x3b: {  	_ = 	snop  }
0x3c: {  	p2 =	seq.s32 s10, $0x1;
	s10 =	sld [smem:$0x3FB4]  }
0x3d: {  	_ =	shalt  }
0x3e: {  	_ =	shalt  }
0x3f: {  	_ =	shalt  }
0x40: {  	_ =	shalt  }
0x41: {  	_ =	shalt  }
0x42: {  	_ =	shalt  }
0x43: {  	_ =	shalt  }
0x44: {  	_ =	shalt  }
0x45: {  	_ =	shalt  }
0x46: {  	_ =	shalt  }
0x47: {  	_ =	shalt  }
0x48: {  	_ =	shalt  }
0x49: {  	_ =	shalt  }
0x4a: {  	_ =	shalt  }
0x4b: {  	_ =	shalt  }
0x4c: {  	_ =	shalt  }
0x4d: {  	_ =	shalt  }
0x4e: {  	_ =	shalt  }
0x4f: {  	_ =	shalt  }
0x50: {  	_ =	shalt  }
0x51: {  	_ =	shalt  }
0x52: {  	_ =	shalt  }
0x53: {  	_ =	shalt  }
0x54: {  	_ =	shalt  }
0x55: {  	_ =	shalt  }
0x56: {  	_ =	shalt  }
0x57: {  	_ =	shalt  }
0x58: {  	_ =	shalt  }
0x59: {  	_ =	shalt  }
0x5a: {  	_ =	shalt  }
0x5b: {  	_ =	shalt  }
0x5c: {  	_ =	shalt  }
0x5d: {  	_ =	shalt  }
0x5e: {  	_ =	shalt  }
0x5f: {  	_ =	shalt  }
0x60: {  	_ =	shalt  }
0x61: {  	_ =	shalt  }
0x62: {  	_ =	shalt  }
0x63: {  	_ =	shalt  }
0x64: {  	_ =	shalt  }
0x65: {  	_ =	shalt  }
0x66: {  	_ =	shalt  }
0x67: {  	_ =	shalt  }
0x68: {  	_ =	shalt  }
0x69: {  	_ =	shalt  }
0x6a: {  	_ =	shalt  }
0x6b: {  	_ =	shalt  }
0x6c: {  	_ =	shalt  }
0x6d: {  	_ =	shalt  }
0x6e: {  	_ =	shalt  }
0x6f: {  	_ =	shalt  }
0x70: {  	_ =	shalt  }
0x71: {  	_ =	shalt  }
0x72: {  	_ =	shalt  }
0x73: {  	_ =	shalt  }
0x74: {  	_ =	shalt  }
0x75: {  	_ =	shalt  }
0x76: {  	_ =	shalt  }
0x77: {  	_ =	shalt  }
0x78: {  	_ =	shalt  }
0x79: {  	_ =	shalt  }
0x7a: {  	_ =	shalt  }
0x7b: {  	_ =	shalt  }
0x7c: {  	_ =	shalt  }
0x7d: {  	_ =	shalt  }
0x7e: {  	_ =	shalt  }
0x7f: {  	_ =	shalt  }
0x80: {  	_ =	shalt  }
0x81: {  	_ =	shalt  }
0x82: {  	_ =	shalt  }
0x83: {  	_ =	shalt  }
0x84: {  	_ =	shalt  }
0x85: {  	_ =	shalt  }
0x86: {  	_ =	shalt  }
0x87: {  	_ =	shalt  }
.Lfunc_end0:
.L_simem_size_0:
called_computation.2_lowered:
.L_overlay_start_0:
0x88: {  	s2 =	sld [smem:$0x3FD9]  }
0x89: {  	s3 =	sld [smem:$0x3FFE];
	_ =	sdelay $0x1  }
0x8a: {  	s1 =	srdreg.scid  }
0x8b: {  	s0 =	sand.u32 $0x1, s1  }
0x8c: {  	s17 =	sshll.u32 s0, $0xA;
	s2 =	sadd.s32 s3, s2  }
0x8d: {  	s2 =	sadd.s32 s2, s17  }
0x8e: {  	[smem:$0x3FC0] =	sst s2  }
0x8f: {  	_ = 	snop  }
0x90: {  	s2 =	sld [smem:$0x3FD0];
	(tm) =	ssettm $0x1  }
0x91: {  	s18 =	sld [smem:$0x3FFB];
	_ =	sdelay $0x3  }
0x92: {  	_ =	strace s18  }
0x93: {  	s3 =	sld [smem:$0x3FFC];
	_ =	sdelay $0x3  }
0x94: {  	_ =	strace s3  }
0x95: {  	s3 =	sld [smem:$0x3FFD];
	_ =	sdelay $0x3  }
0x96: {  	_ =	strace s3  }
0x97: {  	_ =	strace $0x8FFFFFFF  }
0x98: {  	s19 =	sld [smem:$0x3FDB];
	_ =	sdelay $0x1  }
0x99: {  	s4 =	simm.s32 $_scs_section_size  }
0x9a: {  	s5 =	simm.s32 $_size__tile_overlayer_lowered;
	s6 =	simm.s32 $_tile_overlayer_lowered  }
0x9b: {  	s22 =	simm.s32 $0x1BFF;
	s21 =	sshll.u32 s6, $0x1;
	s3 =	sadd.s32 s4, s19  }
0x9c: {  	s7 =	simm.s32 $0x0;
	s20 =	sshll.u32 s5, $0x1;
	s5 =	sadd.s32 s21, s3  }
0x9d: {  	[timem:s7], [sflag:s22] =	dma.local [hbm:s5], s20  }
0x9e: {  	_ =	swait.ge [sflag:s22], s20  }
0x9f: {  	s4 =	ssub.s32 $0x0, s20;
	[sflag:s22] =	ssyncset.done $0x0  }
0xa0: {  	[sflag:s22] =	ssyncadd.s32 s4;
	_ =	sdelay $0x1  }
0xa1: {  	s23 =	simm.s32 $0x1B8B  }
0xa2: {  	_ =	swait.ge [sflag:s23], $0x1  }
0xa3: {  	[sflag:s23] =	ssyncset.done $0x0  }
0xa4: {  	s25 =	simm.s32 $0x1B8E;
	s24 =	sld [smem:$0x3FFE];
	[sflag:s23] =	ssyncadd.s32 $0xFFFFFFFF  }
0xa5: {  	s26 =	simm.s32 $execute0_lowered;
	[smem:$0x3FD2] =	sst s25  }
0xa6: {  	s5 =	sshll.u32 s26, $0x1;
	_ =	strace $0x8000004C;
	[dreg:$0x1] =	wrdreg $0xFFFFFFFF  }
0xa7: {  	s28 =	simm.s32 $_size_execute0_lowered;
	s3 =	sadd.s32 s3, s5;
	[dreg:$0x0] =	wrdreg $0x0  }
0xa8: {  	s5 =	sshll.u32 s28, $0x1;
	[dreg:$0x2] =	wrdreg s3  }
0xa9: {  	[dreg:$0x3] =	wrdreg s5  }
0xaa: {  	[dreg:$0x4] =	wrdreg $0xC0  }
0xab: {  	_ =	task [dreg:s7], $0x5FFFF  }
0xac: {  	[dreg:$0x1] =	wrdreg $0xFFFFFFFF  }
0xad: {  	[dreg:$0x0] =	wrdreg $0x60  }
0xae: {  	[dreg:$0x2] =	wrdreg s24  }
0xaf: {  	[dreg:$0x3] =	wrdreg s2  }
0xb0: {  	[dreg:$0x4] =	wrdreg $0x0  }
0xb1: {  	[dreg:$0x5] =	wrdreg $0x9  }
0xb2: {  	_ =	task.clear_ibuf [dreg:s7], $0x6FFFF;
	_ =	strace $0x9000004C  }
0xb3: {  	s29 =	simm.s32 $0x9;
	_ =	strace $0x8000004E  }
0xb4: {  	_ =	swait.ge [sflag:s29], $0x1  }
0xb5: {  	[sflag:s29] =	ssyncadd.s32 $0xFFFFFFFF  }
0xb6: {  	_ =	strace $0x9000004E  }
0xb7: {  	_ =	sfence  }
0xb8: {  	s30 =	sld [smem:$0x0];
	_ =	sdelay $0x2  }
0xb9: {  	s31 =	sshll.u32 s1, $0xD;
	s1 =	sshrl.u32 s1, $0x2  }
0xba: {  	s3 =	sand.u32 $0x4000, s31;
	s1 =	sadd.s32 s1, s30  }
0xbb: {  	s0 =	sor.u32 s3, s0;
	s1 =	sshll.u32 s1, $0x11  }
0xbc: {  	s0 =	sor.u32 s1, s0  }
0xbd: {  	s0 =	sadd.s32 $0x8F2B, s0  }
0xbe: {  	[sflag:s0] =	ssyncadd.remote.s32 $0x1  }
0xbf: {  	_ =	sfence.sel $0xFFFF  }
0xc0: {  	[dreg:$0x0] =	wrdreg $0xFFFFFFFF;
	(pc) =	sbr.abs _section_cstart, $3  }
0xc1: {  	[dreg:$0x1] =	wrdreg $0xFFFFFFFF  }
0xc2: {  	_ =	task.clear_ibuf [dreg:s7], $0x2FFFF;
	_ =	strace $0x9FFFFFFF  }
0xc3: {  	(tm) =	ssettm $0x7FFFFFFF  }
tec
execute0_lowered:
.L_overlay_start_1:
0x0: {  	(tag) =	ssettag $0x1  }
0x1: {  	s5 =	rddreg [dreg:$0x0]  }
0x2: {  	s9 =	rddreg [dreg:$0x1];
	s0 =	stileid.u32  }
0x3: {  	s1 =	srdreg.scid;
	s2 =	rddreg [dreg:$0x2]  }
0x4: {  	s3 =	simm.s32 $0x0;
	s16 =	simm.s32 $0x15400;
	s17 =	simm.s32 $0x80  }
0x5: {  	s18 =	simm.s32 $0x16800;
	s19 =	simm.s32 $0x1A800;
	s20 =	simm.s32 $0x1  }
0x6: {  	s21 =	simm.s32 $0x2;
	s22 =	simm.s32 $0x15380;
	s6 =	smul.u32 $0x500, s0  }
0x7: {  	s23 =	simm.s32 $0x16700;
	s24 =	simm.s32 $0x16780;
	s10 =	smul.u32 $0x280, s0  }
0x8: {  	s7 =	sand.u32 $0x1, s1;
	s1 =	rddreg [dreg:$0x3];
	s26 =	smul.u32 $0x50000, s0  }
0x9: {  	[smem:$0x7FF] =	sst s3;
	s4 =	sadd.s32 $0x30000, s5;
	s13 =	smul.u32 $0x50, s0  }
0xa: {  	s29 =	sshll.u32 s0, $0x6;
	s8 =	smul.u32 $0x2800, s7;
	_ =	strace $0x8000004D  }
0xb: {  	s28 =	ssub.s32 $0x2, s7;
	s7 =	smul.u32 $0x500, s7;
	s12 =	sadd.s32 s6, s5  }
0xc: {  	s11 =	sshrl.u32 s28, $0x1;
	s25 =	sadd.s32 s10, s8;
	s8 =	sshrl.u32 s26, $0x2  }
0xd: {  	s10 =	ssub.s32 s28, s11;
	s30 =	sadd.s32 s13, s7;
	s6 =	sshll.u32 s25, $0x4  }
0xe: {  	s15 =	sadd.s32 s8, s2;
	s31 =	sshll.u32 s30, $0x4;
	s8 =	smax.u32 s10, $0x1  }
0xf: {  	s10 =	sadd.s32 $0x3000, s12;
	s12 =	sadd.s32 $0x3280, s12;
	s25 =	simm.s32 $0x0  }
0x10: {  	s14 =	sadd.s32 s6, s5;
	s5 =	sadd.s32 s4, s6;
	s6 =	sor.u32 $0x1C03, s29  }
0x11: {  	s9 =	sadd.s32 s9, s31;
	s13 =	sshrl.u32 s15, $0x3;
	s15 =	simm.s32 $0x14000  }
0x12: {  	s7 =	sadd.s32 $0xD5800, s14;
	s11 =	sadd.s32 $0x280, s9;
	s14 =	simm.s32 $0x3  }
.LBB2_1:
0x13: {  	[spmem:s13], [sflag:s6] =	dma.local [hbm:s5], $0x2800  }
0x14: {  	_ =	swait.ge [sflag:s14], $0x2800  }
0x15: {  	[sflag:s14] =	ssyncset.done $0x0  }
0x16: {  	[sflag:s14] =	ssyncadd.s32 $0xFFFFD800  }
0x17: {  	[bflag:$0x0] =	sbarrier.arrive $0xFFFF  }
0x18: {  	[tilespmem:s15], [sflag:$0x3] =	stream.linear.gather [hbm4b:s9+s3], $0x1400, $0x38;
	[tilespmem:$0x1E800] =	vst v63  }
0x19: {  	_ =	swait.ge [sflag:s14], $0x1400  }
0x1a: {  	[sflag:s14] =	ssyncset.done $0x0  }
0x1b: {  	[sflag:s14] =	ssyncadd.s32 $0xFFFFEC00  }
0x1c: {  	[tilespmem:s16], [sflag:$0x3] =	stream.linear.gather [hbm4b:s10+s3], $0x1400, $0x38;
	[tilespmem:$0x1E800] =	vst v63  }
0x1d: {  	_ =	swait.ge [sflag:s14], $0x1400  }
0x1e: {  	[sflag:s14] =	ssyncset.done $0x0  }
0x1f: {  	[sflag:s14] =	ssyncadd.s32 $0xFFFFEC00  }
0x20: {  	[tilespmem:s18], [sflag:$0x1] =	stream.indirect.gather [hbm4b:s4+s17], $0x80, s15, s17, $0xb8;
	[tilespmem:$0x1E800] =	vst v63  }
0x21: {  	s26 =	simm.s32 $0x14080  }
0x22: {  	[tilespmem:s19], [sflag:$0x2] =	stream.indirect.gather [hbm4b:s4+s17], $0x80, s26, s17, $0xb8;
	[tilespmem:$0x1E800] =	vst v63  }
0x23: {  	_ =	swait.ge [sflag:s20], $0x4000  }
0x24: {  	[sflag:s20] =	ssyncset.done $0x0  }
0x25: {  	s29 =	simm.s32 $0x15400;
	[sflag:s20] =	ssyncadd.s32 $0xFFFFC000  }
0x26: {  	[spmem:s2] =	stream.indirect.scatter.add.f32 [tilespmem:s18], [sflag:$0x3], $0x80, s29, s17, $0xb8;
	[tilespmem:$0x1E800] =	vst v63  }
0x27: {  	_ =	swait.ge [sflag:s14], $0x4000  }
0x28: {  	[sflag:s14] =	ssyncset.done $0x0  }
0x29: {  	s30 =	simm.s32 $0x14100;
	[sflag:s14] =	ssyncadd.s32 $0xFFFFC000  }
0x2a: {  	[tilespmem:s18], [sflag:$0x1] =	stream.indirect.gather [hbm4b:s4+s17], $0x80, s30, s17, $0xb8;
	[tilespmem:$0x1E800] =	vst v63  }
0x2b: {  	_ =	swait.ge [sflag:s21], $0x4000  }
0x2c: {  	[sflag:s21] =	ssyncset.done $0x0  }
0x2d: {  	s31 =	simm.s32 $0x15480;
	[sflag:s21] =	ssyncadd.s32 $0xFFFFC000  }
0x2e: {  	[spmem:s2] =	stream.indirect.scatter.add.f32 [tilespmem:s19], [sflag:$0x3], $0x80, s31, s17, $0xb8;
	[tilespmem:$0x1E800] =	vst v63  }
0x2f: {  	_ =	swait.ge [sflag:s14], $0x4000  }
0x30: {  	s28 =	simm.s32 $0x800;
	s26 =	simm.s32 $0x100;
	[sflag:s14] =	ssyncset.done $0x0  }
.LBB2_2:
0x31: {  	s29 =	sadd.s32 $0x14080, s26  }
0x32: {  	[sflag:s14] =	ssyncadd.s32 $0xFFFFC000;
	s30 =	smov.u32 s28;
	s31 =	sadd.s32 $0x400, s28  }
0x33: {  	[tilespmem:s19], [sflag:$0x2] =	stream.indirect.gather [hbm4b:s4+s17], $0x80, s29, s17, $0xb8;
	[tilespmem:$0x1E800] =	vst v63  }
0x34: {  	p0 =	sne.s32 s28, $0x4800;
	_ =	swait.ge [sflag:s20], $0x4000  }
0x35: {  	[sflag:s20] =	ssyncset.done $0x0  }
0x36: {  	s28 =	sadd.s32 $0x15400, s26;
	[sflag:s20] =	ssyncadd.s32 $0xFFFFC000  }
0x37: {  	[spmem:s2] =	stream.indirect.scatter.add.f32 [tilespmem:s18], [sflag:$0x3], $0x80, s28, s17, $0xb8;
	[tilespmem:$0x1E800] =	vst v63  }
0x38: {  	_ =	swait.ge [sflag:s14], $0x4000  }
0x39: {  	[sflag:s14] =	ssyncset.done $0x0  }
0x3a: {  	s28 =	sadd.s32 $0x14100, s26;
	[sflag:s14] =	ssyncadd.s32 $0xFFFFC000  }
0x3b: {  	[tilespmem:s18], [sflag:$0x1] =	stream.indirect.gather [hbm4b:s4+s17], $0x80, s28, s17, $0xb8;
	[tilespmem:$0x1E800] =	vst v63  }
0x3c: {  	_ =	swait.ge [sflag:s21], $0x4000  }
.Ltmp0:
0x3d: {  	[sflag:s21] =	ssyncset.done $0x0;
	(pc) =	sbr.rel @p0 .LBB2_2-.Ltmp0, $4  }
0x3e: {  	s26 =	sadd.s32 $0x15480, s26;
	[sflag:s21] =	ssyncadd.s32 $0xFFFFC000  }
0x3f: {  	[spmem:s2] =	stream.indirect.scatter.add.f32 [tilespmem:s19], [sflag:$0x3], $0x80, s26, s17, $0xb8;
	[tilespmem:$0x1E800] =	vst v63  }
0x40: {  	_ =	swait.ge [sflag:s14], $0x4000  }
0x41: {  	s28 =	smov.u32 s31;
	s26 =	sshra.s32 s30, $0x2;
	[sflag:s14] =	ssyncset.done $0x0  }
0x42: {  	s28 =	sadd.s32 $0x14080, s26;
	[sflag:s14] =	ssyncadd.s32 $0xFFFFC000  }
0x43: {  	[tilespmem:s19], [sflag:$0x2] =	stream.indirect.gather [hbm4b:s4+s17], $0x80, s28, s17, $0xb8;
	[tilespmem:$0x1E800] =	vst v63  }
0x44: {  	_ =	swait.ge [sflag:s20], $0x4000  }
0x45: {  	[sflag:s20] =	ssyncset.done $0x0  }
0x46: {  	s28 =	sadd.s32 $0x15400, s26;
	[sflag:s20] =	ssyncadd.s32 $0xFFFFC000  }
0x47: {  	[spmem:s2] =	stream.indirect.scatter.add.f32 [tilespmem:s18], [sflag:$0x3], $0x80, s28, s17, $0xb8;
	[tilespmem:$0x1E800] =	vst v63  }
0x48: {  	_ =	swait.ge [sflag:s14], $0x4000  }
0x49: {  	[sflag:s14] =	ssyncset.done $0x0  }
0x4a: {  	s28 =	sadd.s32 $0x14100, s26;
	[sflag:s14] =	ssyncadd.s32 $0xFFFFC000  }
0x4b: {  	[tilespmem:s18], [sflag:$0x1] =	stream.indirect.gather [hbm4b:s4+s17], $0x80, s28, s17, $0xb8;
	[tilespmem:$0x1E800] =	vst v63  }
0x4c: {  	_ =	swait.ge [sflag:s21], $0x4000  }
0x4d: {  	[sflag:s21] =	ssyncset.done $0x0  }
0x4e: {  	s29 =	sadd.s32 $0x15480, s26;
	[sflag:s21] =	ssyncadd.s32 $0xFFFFC000  }
0x4f: {  	[spmem:s2] =	stream.indirect.scatter.add.f32 [tilespmem:s19], [sflag:$0x3], $0x80, s29, s17, $0xb8;
	[tilespmem:$0x1E800] =	vst v63  }
0x50: {  	_ =	swait.ge [sflag:s14], $0x4000  }
0x51: {  	[sflag:s14] =	ssyncset.done $0x0  }
0x52: {  	[sflag:s14] =	ssyncadd.s32 $0xFFFFC000  }
0x53: {  	[tilespmem:s19], [sflag:$0x2] =	stream.indirect.gather [hbm4b:s4+s17], $0x80, s22, s17, $0xb8;
	[tilespmem:$0x1E800] =	vst v63  }
0x54: {  	_ =	swait.ge [sflag:s20], $0x4000  }
0x55: {  	[sflag:s20] =	ssyncset.done $0x0  }
0x56: {  	[sflag:s20] =	ssyncadd.s32 $0xFFFFC000  }
0x57: {  	[spmem:s2] =	stream.indirect.scatter.add.f32 [tilespmem:s18], [sflag:$0x3], $0x80, s23, s17, $0xb8;
	[tilespmem:$0x1E800] =	vst v63  }
0x58: {  	_ =	swait.ge [sflag:s14], $0x4000  }
0x59: {  	[sflag:s14] =	ssyncset.done $0x0  }
0x5a: {  	[sflag:s14] =	ssyncadd.s32 $0xFFFFC000  }
0x5b: {  	_ =	swait.ge [sflag:s21], $0x4000  }
0x5c: {  	[sflag:s21] =	ssyncset.done $0x0  }
0x5d: {  	[sflag:s21] =	ssyncadd.s32 $0xFFFFC000  }
0x5e: {  	[spmem:s2] =	stream.indirect.scatter.add.f32 [tilespmem:s19], [sflag:$0x3], $0x80, s24, s17, $0xb8;
	[tilespmem:$0x1E800] =	vst v63  }
0x5f: {  	_ =	swait.ge [sflag:s14], $0x4000  }
0x60: {  	[sflag:s14] =	ssyncset.done $0x0  }
0x61: {  	s30 =	simm.s32 $0x0;
	[sflag:s14] =	ssyncadd.s32 $0xFFFFC000  }
0x62: {  	[tilespmem:s15], [sflag:$0x3] =	stream.linear.gather [hbm4b:s11+s30], $0x1400, $0x38;
	[tilespmem:$0x1E800] =	vst v63  }
0x63: {  	_ =	swait.ge [sflag:s14], $0x1400  }
0x64: {  	[sflag:s14] =	ssyncset.done $0x0  }
0x65: {  	[sflag:s14] =	ssyncadd.s32 $0xFFFFEC00  }
0x66: {  	[tilespmem:s16], [sflag:$0x3] =	stream.linear.gather [hbm4b:s12+s30], $0x1400, $0x38;
	[tilespmem:$0x1E800] =	vst v63  }
0x67: {  	_ =	swait.ge [sflag:s14], $0x1400  }
0x68: {  	[sflag:s14] =	ssyncset.done $0x0  }
0x69: {  	[sflag:s14] =	ssyncadd.s32 $0xFFFFEC00  }
0x6a: {  	[tilespmem:s18], [sflag:$0x1] =	stream.indirect.gather [hbm4b:s4+s17], $0x80, s15, s17, $0xb8;
	[tilespmem:$0x1E800] =	vst v63  }
0x6b: {  	s31 =	simm.s32 $0x14080  }
0x6c: {  	[tilespmem:s19], [sflag:$0x2] =	stream.indirect.gather [hbm4b:s4+s17], $0x80, s31, s17, $0xb8;
	[tilespmem:$0x1E800] =	vst v63  }
0x6d: {  	_ =	swait.ge [sflag:s20], $0x4000  }
0x6e: {  	[sflag:s20] =	ssyncset.done $0x0  }
0x6f: {  	s29 =	simm.s32 $0x15400;
	[sflag:s20] =	ssyncadd.s32 $0xFFFFC000  }
0x70: {  	[spmem:s2] =	stream.indirect.scatter.add.f32 [tilespmem:s18], [sflag:$0x3], $0x80, s29, s17, $0xb8;
	[tilespmem:$0x1E800] =	vst v63  }
0x71: {  	_ =	swait.ge [sflag:s14], $0x4000  }
0x72: {  	[sflag:s14] =	ssyncset.done $0x0  }
0x73: {  	s30 =	simm.s32 $0x14100;
	[sflag:s14] =	ssyncadd.s32 $0xFFFFC000  }
0x74: {  	[tilespmem:s18], [sflag:$0x1] =	stream.indirect.gather [hbm4b:s4+s17], $0x80, s30, s17, $0xb8;
	[tilespmem:$0x1E800] =	vst v63  }
0x75: {  	_ =	swait.ge [sflag:s21], $0x4000  }
0x76: {  	[sflag:s21] =	ssyncset.done $0x0  }
0x77: {  	s31 =	simm.s32 $0x15480;
	[sflag:s21] =	ssyncadd.s32 $0xFFFFC000  }
0x78: {  	[spmem:s2] =	stream.indirect.scatter.add.f32 [tilespmem:s19], [sflag:$0x3], $0x80, s31, s17, $0xb8;
	[tilespmem:$0x1E800] =	vst v63  }
0x79: {  	_ =	swait.ge [sflag:s14], $0x4000  }
0x7a: {  	s26 =	simm.s32 $0x100;
	s28 =	simm.s32 $0x800;
	[sflag:s14] =	ssyncset.done $0x0  }
.LBB2_4:
0x7b: {  	s29 =	sadd.s32 $0x14080, s26  }
0x7c: {  	[sflag:s14] =	ssyncadd.s32 $0xFFFFC000;
	s30 =	smov.u32 s28;
	s31 =	sadd.s32 $0x400, s28  }
0x7d: {  	[tilespmem:s19], [sflag:$0x2] =	stream.indirect.gather [hbm4b:s4+s17], $0x80, s29, s17, $0xb8;
	[tilespmem:$0x1E800] =	vst v63  }
0x7e: {  	p0 =	sne.s32 s28, $0x4800;
	_ =	swait.ge [sflag:s20], $0x4000  }
0x7f: {  	[sflag:s20] =	ssyncset.done $0x0  }
0x80: {  	s28 =	sadd.s32 $0x15400, s26;
	[sflag:s20] =	ssyncadd.s32 $0xFFFFC000  }
0x81: {  	[spmem:s2] =	stream.indirect.scatter.add.f32 [tilespmem:s18], [sflag:$0x3], $0x80, s28, s17, $0xb8;
	[tilespmem:$0x1E800] =	vst v63  }
0x82: {  	_ =	swait.ge [sflag:s14], $0x4000  }
0x83: {  	[sflag:s14] =	ssyncset.done $0x0  }
0x84: {  	s28 =	sadd.s32 $0x14100, s26;
	[sflag:s14] =	ssyncadd.s32 $0xFFFFC000  }
0x85: {  	[tilespmem:s18], [sflag:$0x1] =	stream.indirect.gather [hbm4b:s4+s17], $0x80, s28, s17, $0xb8;
	[tilespmem:$0x1E800] =	vst v63  }
0x86: {  	_ =	swait.ge [sflag:s21], $0x4000  }
.Ltmp1:
0x87: {  	[sflag:s21] =	ssyncset.done $0x0;
	(pc) =	sbr.rel @p0 .LBB2_4-.Ltmp1, $4  }
0x88: {  	s26 =	sadd.s32 $0x15480, s26;
	[sflag:s21] =	ssyncadd.s32 $0xFFFFC000  }
0x89: {  	[spmem:s2] =	stream.indirect.scatter.add.f32 [tilespmem:s19], [sflag:$0x3], $0x80, s26, s17, $0xb8;
	[tilespmem:$0x1E800] =	vst v63  }
0x8a: {  	_ =	swait.ge [sflag:s14], $0x4000  }
0x8b: {  	s28 =	smov.u32 s31;
	s26 =	sshra.s32 s30, $0x2;
	[sflag:s14] =	ssyncset.done $0x0  }
0x8c: {  	s28 =	sadd.s32 $0x14080, s26;
	[sflag:s14] =	ssyncadd.s32 $0xFFFFC000  }
0x8d: {  	[tilespmem:s19], [sflag:$0x2] =	stream.indirect.gather [hbm4b:s4+s17], $0x80, s28, s17, $0xb8;
	[tilespmem:$0x1E800] =	vst v63  }
0x8e: {  	_ =	swait.ge [sflag:s20], $0x4000  }
0x8f: {  	[sflag:s20] =	ssyncset.done $0x0  }
0x90: {  	s29 =	sadd.s32 $0x15400, s26;
	[sflag:s20] =	ssyncadd.s32 $0xFFFFC000  }
0x91: {  	[spmem:s2] =	stream.indirect.scatter.add.f32 [tilespmem:s18], [sflag:$0x3], $0x80, s29, s17, $0xb8;
	[tilespmem:$0x1E800] =	vst v63  }
0x92: {  	_ =	swait.ge [sflag:s14], $0x4000  }
0x93: {  	[sflag:s14] =	ssyncset.done $0x0  }
0x94: {  	s30 =	sadd.s32 $0x14100, s26;
	[sflag:s14] =	ssyncadd.s32 $0xFFFFC000  }
0x95: {  	[tilespmem:s18], [sflag:$0x1] =	stream.indirect.gather [hbm4b:s4+s17], $0x80, s30, s17, $0xb8;
	[tilespmem:$0x1E800] =	vst v63  }
0x96: {  	_ =	swait.ge [sflag:s21], $0x4000  }
0x97: {  	[sflag:s21] =	ssyncset.done $0x0  }
0x98: {  	s31 =	sadd.s32 $0x15480, s26;
	[sflag:s21] =	ssyncadd.s32 $0xFFFFC000  }
0x99: {  	[spmem:s2] =	stream.indirect.scatter.add.f32 [tilespmem:s19], [sflag:$0x3], $0x80, s31, s17, $0xb8;
	[tilespmem:$0x1E800] =	vst v63  }
0x9a: {  	_ =	swait.ge [sflag:s14], $0x4000  }
0x9b: {  	[sflag:s14] =	ssyncset.done $0x0  }
0x9c: {  	[sflag:s14] =	ssyncadd.s32 $0xFFFFC000  }
0x9d: {  	[tilespmem:s19], [sflag:$0x2] =	stream.indirect.gather [hbm4b:s4+s17], $0x80, s22, s17, $0xb8;
	[tilespmem:$0x1E800] =	vst v63  }
0x9e: {  	_ =	swait.ge [sflag:s20], $0x4000  }
0x9f: {  	[sflag:s20] =	ssyncset.done $0x0  }
0xa0: {  	[sflag:s20] =	ssyncadd.s32 $0xFFFFC000  }
0xa1: {  	[spmem:s2] =	stream.indirect.scatter.add.f32 [tilespmem:s18], [sflag:$0x3], $0x80, s23, s17, $0xb8;
	[tilespmem:$0x1E800] =	vst v63  }
0xa2: {  	_ =	swait.ge [sflag:s14], $0x4000  }
0xa3: {  	[sflag:s14] =	ssyncset.done $0x0  }
0xa4: {  	[sflag:s14] =	ssyncadd.s32 $0xFFFFC000  }
0xa5: {  	_ =	swait.ge [sflag:s21], $0x4000  }
0xa6: {  	[sflag:s21] =	ssyncset.done $0x0  }
0xa7: {  	[sflag:s21] =	ssyncadd.s32 $0xFFFFC000  }
0xa8: {  	[spmem:s2] =	stream.indirect.scatter.add.f32 [tilespmem:s19], [sflag:$0x3], $0x80, s24, s17, $0xb8;
	[tilespmem:$0x1E800] =	vst v63  }
0xa9: {  	_ =	swait.ge [sflag:s14], $0x4000  }
0xaa: {  	s25 =	sadd.s32 $0x1, s25;
	[sflag:s14] =	ssyncset.done $0x0  }
0xab: {  	p0 =	sne.s32 s25, s8;
	[sflag:s14] =	ssyncadd.s32 $0xFFFFC000  }
.Ltmp2:
0xac: {  	[bflag:$0x0] =	sbarrier.arrive $0xFFFF;
	(pc) =	sbr.rel @p0 .LBB2_1-.Ltmp2, $4  }
0xad: {  	[hbm:s7], [sflag:s6] =	dma.local [spmem:s13], $0x2800  }
0xae: {  	_ =	swait.ge [sflag:s14], $0x2800  }
0xaf: {  	[sflag:s14] =	ssyncset.done $0x0  }
0xb0: {  	[sflag:s14] =	ssyncadd.s32 $0xFFFFD800  }
0xb1: {  	_ =	sfence.sel $0x180000  }
0xb2: {  	[bflag:$0x0] =	sbarrier.arrive $0xFFFF  }
0xb3: {  	p0 =	sne.s32 s0, $0x0;
	_ =	strace $0x9000004D  }
0xb4: {  	s0 =	sadd.s32 @!p0 $0x100000, s1;
	[bflag:$0x2] =	sbarrier.arrive $0xFFFF  }
0xb5: {  	[sflag:s0] =	ssyncadd.tile.s32 @!p0 $0x1;
	_ =	shalt  }
.Lfunc_end2:
_tile_overlayer_lowered:
.L_overlay_start_2:
0xb6: {  	(tag) =	ssettag $0x2  }
0xb7: {  	s0 =	rddreg [dreg:$0x0];
	s2 =	stileid.u32  }
0xb8: {  	s1 =	rddreg [dreg:$0x1];
	p0 =	sne.s32 s2, $0x0  }
0xb9: {  	s3 =	rddreg [dreg:$0x2];
	[bflag:$0x3] =	sbarrier.arrive $0xFFFF;
	s2 =	simm.s32 @!p0 $0x1C03  }
0xba: {  	[timem:s3], [sflag:s2] =	dma.local @!p0 [hbm:s0], s1  }
0xbb: {  	s0 =	simm.s32 @!p0 $0x3  }
0xbc: {  	_ =	swait.ge @!p0 [sflag:s0], s1  }
0xbd: {  	s1 =	ssub.s32 @!p0 $0x0, s1;
	[sflag:s0] =	ssyncset.done @!p0 $0x0  }
0xbe: {  	[sflag:s0] =	ssyncadd.s32 @!p0 s1  }
0xbf: {  	[bflag:$0x3] =	sbarrier.arrive $0xFFFF  }
0xc0: {  	_ =	shalt  }

// kernel: kernel.19.cloned.1.call-start
scs
__scs_entry_jumppad:
0x0: {  	(pc) =	sbr.rel $0x88, $3  }
0x1: {  	(tag) =	ssettag $0x0;
	lr =	simm.s32 $0x1  }
0x2: {  	[smem:$0x3F99] =	sst lr;
	_ =	strace $0xD0000000  }
0x3: {  	_ = 	snop  }
0x4: {  	_ = 	snop  }
0x5: {  	_ = 	snop  }
0x6: {  	_ = 	snop  }
0x7: {  	_ = 	snop  }
__scs_overlays_trampoline_lowered:
0x8: {  	[smem:$0x3FA8] =	sst s0  }
0x9: {  	[smem:$0x3FA9] =	sst s1  }
0xa: {  	[smem:$0x3FAA] =	sst s2  }
0xb: {  	[smem:$0x3FAB] =	sst s3  }
0xc: {  	[smem:$0x3FAC] =	sst s4  }
0xd: {  	[smem:$0x3FAD] =	sst s5  }
0xe: {  	[smem:$0x3FAE] =	sst s6  }
0xf: {  	[smem:$0x3FAF] =	sst s7  }
0x10: {  	[smem:$0x3FB0] =	sst s8  }
0x11: {  	[smem:$0x3FB1] =	sst s9;
	s0 =	simm.s32 @!p0 $0x0  }
0x12: {  	s1 =	sld [smem:$0x3F97];
	s0 =	simm.s32 @p0 $0x1  }
0x13: {  	[smem:$0x3FB2] =	sst s0;
	s0 =	simm.s32 @!p1 $0x0  }
0x14: {  	s2 =	sld [smem:$0x3F96];
	s0 =	simm.s32 @p1 $0x1  }
0x15: {  	[smem:$0x3FB3] =	sst s0;
	s0 =	simm.s32 @!p2 $0x0  }
0x16: {  	s3 =	sld [smem:$0x3FDB];
	s0 =	simm.s32 @p2 $0x1  }
0x17: {  	s4 =	simm.s32 $0x1BF5;
	[smem:$0x3FB5] =	sst s0  }
0x18: {  	s0 =	sld [smem:$0x3F98];
	_ =	swait.ge [sflag:s4], $0x0  }
0x19: {  	s7 =	sld [smem:$0x3F99]  }
0x1a: {  	s8 =	sadd.s32 $0xFFFFE003, lr  }
0x1b: {  	s9 =	sadd.s32 $0xFFFFFEF7, lr;
	s5 =	simm.s32 $0xFFFFFFFF;
	p2 =	slt.u32 s8, $0xFFFFF086  }
0x1c: {  	p1 =	slt.u32 s9, $0xF7A;
	s5 =	simm.s32 @!p2 $0x0  }
0x1d: {  	s5 =	simm.s32 @p1 $0x1;
	p0 =	seq.s32 s7, s2  }
0x1e: {  	s7 =	smul.u32 @!p0 $0xF7A, s2;
	p2 =	seq.s32 @!p0 s5, $0x0  }
0x1f: {  	s9 =	smul.u32 $0xF7A, s1;
	s8 =	simm.s32 @!p0 $0x1BF5;
	p2 =	por !p2, p0  }
0x20: {  	[sflag:s8] =	ssyncset.s32 @!p0 $0xFFFFF086;
	s6 =	sadd.s32 @!p0 s3, s7;
	s7 =	simm.s32 @!p0 $0x108  }
0x21: {  	s3 =	sadd.s32 s3, s9;
	s6 =	sadd.s32 @!p0 $0x88, s6;
	s7 =	simm.s32 @p2 $0x1082  }
0x22: {  	[simem:s7], [sflag:s8] =	dma.local @!p0 [hbm:s6], $0xF7A  }
0x23: {  	s9 =	sor.u32 $0xD0000000, s2;
	s6 =	simm.s32 $0x108;
	_ =	swait.ge @!p0 [sflag:s8], $0x0  }
0x24: {  	s3 =	sadd.s32 $0x88, s3;
	s6 =	simm.s32 @!p1 $0x1082;
	[sflag:s4] =	ssyncset.s32 $0xFFFFF086  }
0x25: {  	[simem:s6], [sflag:s4] =	dma.local [hbm:s3], $0xF7A  }
0x26: {  	[smem:$0x3F99] =	sst s1;
	(tag) =	ssettag s2;
	_ =	strace s9  }
0x27: {  	s1 =	sld [smem:$0x3FA9]  }
0x28: {  	s2 =	sld [smem:$0x3FAA]  }
0x29: {  	s4 =	sld [smem:$0x3FAC]  }
0x2a: {  	p0 =	seq.s32 s5, $0x0;
	s5 =	sld [smem:$0x3FAD]  }
0x2b: {  	s6 =	sld [smem:$0x3FAE]  }
0x2c: {  	s7 =	sld [smem:$0x3FAF]  }
0x2d: {  	s3 =	simm.s32 $0x108;
	s8 =	sld [smem:$0x3FB0]  }
0x2e: {  	s3 =	simm.s32 @!p0 $0x1082;
	s9 =	sld [smem:$0x3FB1]  }
0x2f: {  	lr =	sadd.s32 s0, s3;
	s0 =	sld [smem:$0x3FA8]  }
0x30: {  	s3 =	sld [smem:$0x3FAB]  }
0x31: {  	[smem:$0x3FB4] =	sst s10  }
0x32: {  	s10 =	sld [smem:$0x3FB2];
	_ =	sdelay $0x3  }
0x33: {  	p0 =	seq.s32 s10, $0x1;
	s10 =	sld [smem:$0x3FB4];
	_ =	sdelay $0x3  }
0x34: {  	[smem:$0x3FB4] =	sst s10  }
0x35: {  	s10 =	sld [smem:$0x3FB3];
	_ =	sdelay $0x3  }
0x36: {  	p1 =	seq.s32 s10, $0x1;
	s10 =	sld [smem:$0x3FB4];
	_ =	sdelay $0x3  }
0x37: {  	[smem:$0x3FB4] =	sst s10  }
0x38: {  	s10 =	sld [smem:$0x3FB5]  }
0x39: {  	_ = 	snop;
	(pc) =	sbr.ind lr, $3  }
0x3a: {  	_ = 	snop  }
0x3b: {  	_ = 	snop  }
0x3c: {  	p2 =	seq.s32 s10, $0x1;
	s10 =	sld [smem:$0x3FB4]  }
0x3d: {  	_ =	shalt  }
0x3e: {  	_ =	shalt  }
0x3f: {  	_ =	shalt  }
0x40: {  	_ =	shalt  }
0x41: {  	_ =	shalt  }
0x42: {  	_ =	shalt  }
0x43: {  	_ =	shalt  }
0x44: {  	_ =	shalt  }
0x45: {  	_ =	shalt  }
0x46: {  	_ =	shalt  }
0x47: {  	_ =	shalt  }
0x48: {  	_ =	shalt  }
0x49: {  	_ =	shalt  }
0x4a: {  	_ =	shalt  }
0x4b: {  	_ =	shalt  }
0x4c: {  	_ =	shalt  }
0x4d: {  	_ =	shalt  }
0x4e: {  	_ =	shalt  }
0x4f: {  	_ =	shalt  }
0x50: {  	_ =	shalt  }
0x51: {  	_ =	shalt  }
0x52: {  	_ =	shalt  }
0x53: {  	_ =	shalt  }
0x54: {  	_ =	shalt  }
0x55: {  	_ =	shalt  }
0x56: {  	_ =	shalt  }
0x57: {  	_ =	shalt  }
0x58: {  	_ =	shalt  }
0x59: {  	_ =	shalt  }
0x5a: {  	_ =	shalt  }
0x5b: {  	_ =	shalt  }
0x5c: {  	_ =	shalt  }
0x5d: {  	_ =	shalt  }
0x5e: {  	_ =	shalt  }
0x5f: {  	_ =	shalt  }
0x60: {  	_ =	shalt  }
0x61: {  	_ =	shalt  }
0x62: {  	_ =	shalt  }
0x63: {  	_ =	shalt  }
0x64: {  	_ =	shalt  }
0x65: {  	_ =	shalt  }
0x66: {  	_ =	shalt  }
0x67: {  	_ =	shalt  }
0x68: {  	_ =	shalt  }
0x69: {  	_ =	shalt  }
0x6a: {  	_ =	shalt  }
0x6b: {  	_ =	shalt  }
0x6c: {  	_ =	shalt  }
0x6d: {  	_ =	shalt  }
0x6e: {  	_ =	shalt  }
0x6f: {  	_ =	shalt  }
0x70: {  	_ =	shalt  }
0x71: {  	_ =	shalt  }
0x72: {  	_ =	shalt  }
0x73: {  	_ =	shalt  }
0x74: {  	_ =	shalt  }
0x75: {  	_ =	shalt  }
0x76: {  	_ =	shalt  }
0x77: {  	_ =	shalt  }
0x78: {  	_ =	shalt  }
0x79: {  	_ =	shalt  }
0x7a: {  	_ =	shalt  }
0x7b: {  	_ =	shalt  }
0x7c: {  	_ =	shalt  }
0x7d: {  	_ =	shalt  }
0x7e: {  	_ =	shalt  }
0x7f: {  	_ =	shalt  }
0x80: {  	_ =	shalt  }
0x81: {  	_ =	shalt  }
0x82: {  	_ =	shalt  }
0x83: {  	_ =	shalt  }
0x84: {  	_ =	shalt  }
0x85: {  	_ =	shalt  }
0x86: {  	_ =	shalt  }
0x87: {  	_ =	shalt  }
.Lfunc_end0:
.L_simem_size_0:
called_computation.3_lowered:
.L_overlay_start_0:
0x88: {  	s2 =	sld [smem:$0x3FD9]  }
0x89: {  	s3 =	sld [smem:$0x3FFE];
	_ =	sdelay $0x1  }
0x8a: {  	s1 =	srdreg.scid  }
0x8b: {  	s0 =	sand.u32 $0x1, s1  }
0x8c: {  	s16 =	sshll.u32 s0, $0xA;
	s2 =	sadd.s32 s3, s2  }
0x8d: {  	s2 =	sadd.s32 s2, s16  }
0x8e: {  	[smem:$0x3FC0] =	sst s2  }
0x8f: {  	_ = 	snop  }
0x90: {  	(tm) =	ssettm $0x1  }
0x91: {  	s17 =	sld [smem:$0x3FFB];
	_ =	sdelay $0x3  }
0x92: {  	_ =	strace s17  }
0x93: {  	s2 =	sld [smem:$0x3FFC];
	_ =	sdelay $0x3  }
0x94: {  	_ =	strace s2  }
0x95: {  	s2 =	sld [smem:$0x3FFD];
	_ =	sdelay $0x3  }
0x96: {  	_ =	strace s2  }
0x97: {  	_ =	strace $0x8FFFFFFF  }
0x98: {  	s18 =	sld [smem:$0x3FDB];
	_ =	sdelay $0x1  }
0x99: {  	s19 =	simm.s32 $_scs_section_size  }
0x9a: {  	s4 =	simm.s32 $_size__tile_overlayer_lowered;
	s5 =	simm.s32 $_tile_overlayer_lowered  }
0x9b: {  	s22 =	simm.s32 $0x1BFF;
	s21 =	sshll.u32 s5, $0x1;
	s2 =	sadd.s32 s19, s18  }
0x9c: {  	s6 =	simm.s32 $0x0;
	s20 =	sshll.u32 s4, $0x1;
	s4 =	sadd.s32 s21, s2  }
0x9d: {  	[timem:s6], [sflag:s22] =	dma.local [hbm:s4], s20  }
0x9e: {  	_ =	swait.ge [sflag:s22], s20  }
0x9f: {  	s3 =	ssub.s32 $0x0, s20;
	[sflag:s22] =	ssyncset.done $0x0  }
0xa0: {  	[sflag:s22] =	ssyncadd.s32 s3;
	_ =	sdelay $0x1  }
0xa1: {  	s23 =	simm.s32 $0x1B8B  }
0xa2: {  	_ =	swait.ge [sflag:s23], $0x1  }
0xa3: {  	[sflag:s23] =	ssyncset.done $0x0  }
0xa4: {  	s25 =	simm.s32 $0x1B8E;
	s24 =	sld [smem:$0x3FFE];
	[sflag:s23] =	ssyncadd.s32 $0xFFFFFFFF  }
0xa5: {  	s26 =	simm.s32 $execute0_lowered;
	[smem:$0x3FD2] =	sst s25  }
0xa6: {  	s4 =	sshll.u32 s26, $0x1;
	_ =	strace $0x8000004F;
	[dreg:$0x1] =	wrdreg $0xFFFFFFFF  }
0xa7: {  	s28 =	simm.s32 $_size_execute0_lowered;
	s2 =	sadd.s32 s2, s4;
	[dreg:$0x0] =	wrdreg $0x0  }
0xa8: {  	s4 =	sshll.u32 s28, $0x1;
	[dreg:$0x2] =	wrdreg s2  }
0xa9: {  	[dreg:$0x3] =	wrdreg s4  }
0xaa: {  	[dreg:$0x4] =	wrdreg $0xC0  }
0xab: {  	_ =	task [dreg:s6], $0x5FFFF  }
0xac: {  	[dreg:$0x1] =	wrdreg $0xFFFFFFFF  }
0xad: {  	[dreg:$0x0] =	wrdreg $0x60  }
0xae: {  	[dreg:$0x2] =	wrdreg s24  }
0xaf: {  	[dreg:$0x3] =	wrdreg $0x0  }
0xb0: {  	[dreg:$0x4] =	wrdreg $0x9  }
0xb1: {  	_ =	task.clear_ibuf [dreg:s6], $0x5FFFF;
	_ =	strace $0x9000004F  }
0xb2: {  	s29 =	simm.s32 $0x9;
	_ =	strace $0x80000051  }
0xb3: {  	_ =	swait.ge [sflag:s29], $0x1  }
0xb4: {  	[sflag:s29] =	ssyncadd.s32 $0xFFFFFFFF  }
0xb5: {  	_ =	strace $0x90000051  }
0xb6: {  	_ =	sfence  }
0xb7: {  	s30 =	sld [smem:$0x0];
	_ =	sdelay $0x2  }
0xb8: {  	s31 =	sshll.u32 s1, $0xD;
	s1 =	sshrl.u32 s1, $0x2  }
0xb9: {  	s3 =	sand.u32 $0x4000, s31;
	s1 =	sadd.s32 s1, s30  }
0xba: {  	s0 =	sor.u32 s3, s0;
	s1 =	sshll.u32 s1, $0x11  }
0xbb: {  	s0 =	sor.u32 s1, s0  }
0xbc: {  	s0 =	sadd.s32 $0x8F2B, s0  }
0xbd: {  	[sflag:s0] =	ssyncadd.remote.s32 $0x1  }
0xbe: {  	_ =	sfence.sel $0xFFFF  }
0xbf: {  	[dreg:$0x0] =	wrdreg $0xFFFFFFFF;
	(pc) =	sbr.abs _section_cstart, $3  }
0xc0: {  	[dreg:$0x1] =	wrdreg $0xFFFFFFFF  }
0xc1: {  	_ =	task.clear_ibuf [dreg:s6], $0x2FFFF;
	_ =	strace $0x9FFFFFFF  }
0xc2: {  	(tm) =	ssettm $0x7FFFFFFF  }
0xc3: {  	_ =	shalt  }
tec
execute0_lowered:
.L_overlay_start_1:
0x0: {  	(tag) =	ssettag $0x1  }
0x1: {  	s5 =	rddreg [dreg:$0x0];
	s0 =	stileid.u32  }
0x2: {  	s1 =	srdreg.scid;
	s2 =	rddreg [dreg:$0x1]  }
0x3: {  	s3 =	simm.s32 $0x0;
	s14 =	simm.s32 $0x15400;
	s15 =	simm.s32 $0x80  }
0x4: {  	s16 =	simm.s32 $0x16800;
	s17 =	simm.s32 $0x1A800;
	s18 =	simm.s32 $0x1  }
0x5: {  	s19 =	simm.s32 $0x2;
	s20 =	simm.s32 $0x15380;
	s21 =	simm.s32 $0x16700  }
0x6: {  	s22 =	simm.s32 $0x16780;
	s23 =	simm.s32 $0x0;
	s6 =	smul.u32 $0x2800, s0  }
0x7: {  	s7 =	sand.u32 $0x1, s1;
	s1 =	rddreg [dreg:$0x2];
	s9 =	smul.u32 $0x28, s0  }
0x8: {  	[smem:$0x7FF] =	sst s3;
	s4 =	sadd.s32 $0x30000, s5;
	s11 =	smul.u32 $0x50000, s0  }
0x9: {  	s31 =	sshll.u32 s0, $0x6;
	s8 =	smul.u32 $0x280, s7;
	_ =	strace $0x80000050  }
0xa: {  	s28 =	smul.u32 $0x28000, s7;
	s7 =	ssub.s32 $0x2, s7;
	s10 =	sadd.s32 s6, s5  }
0xb: {  	s29 =	sshrl.u32 s7, $0x1;
	s30 =	sshrl.u32 s11, $0x2;
	s8 =	sadd.s32 s9, s8  }
0xc: {  	s6 =	sadd.s32 s6, s28;
	s13 =	ssub.s32 s7, s29;
	s11 =	sadd.s32 s30, s2  }
0xd: {  	s8 =	sshll.u32 s8, $0x4;
	s12 =	sadd.s32 s6, s5;
	s6 =	sor.u32 $0x1C03, s31  }
0xe: {  	s11 =	sshrl.u32 s11, $0x3;
	s8 =	sadd.s32 s8, s5;
	s5 =	sadd.s32 $0x8000, s10  }
0xf: {  	s9 =	sadd.s32 $0x85800, s12;
	s10 =	smax.u32 s13, $0x1;
	s12 =	simm.s32 $0x3  }
0x10: {  	s13 =	simm.s32 $0x14000;
	s7 =	sadd.s32 $0x80800, s8;
	s8 =	sadd.s32 $0x3000, s8  }
.LBB2_1:
0x11: {  	[spmem:s11], [sflag:s6] =	dma.local [hbm:s5], $0x2800  }
0x12: {  	_ =	swait.ge [sflag:s12], $0x2800  }
0x13: {  	[sflag:s12] =	ssyncset.done $0x0  }
0x14: {  	[sflag:s12] =	ssyncadd.s32 $0xFFFFD800  }
0x15: {  	[bflag:$0x0] =	sbarrier.arrive $0xFFFF  }
0x16: {  	[tilespmem:s13], [sflag:$0x3] =	stream.linear.gather [hbm4b:s7+s3], $0x1400, $0x38;
	[tilespmem:$0x1E800] =	vst v63  }
0x17: {  	_ =	swait.ge [sflag:s12], $0x1400  }
0x18: {  	[sflag:s12] =	ssyncset.done $0x0  }
0x19: {  	[sflag:s12] =	ssyncadd.s32 $0xFFFFEC00  }
0x1a: {  	[tilespmem:s14], [sflag:$0x3] =	stream.linear.gather [hbm4b:s8+s3], $0x1400, $0x38;
	[tilespmem:$0x1E800] =	vst v63  }
0x1b: {  	_ =	swait.ge [sflag:s12], $0x1400  }
0x1c: {  	[sflag:s12] =	ssyncset.done $0x0  }
0x1d: {  	[sflag:s12] =	ssyncadd.s32 $0xFFFFEC00  }
0x1e: {  	[tilespmem:s16], [sflag:$0x1] =	stream.indirect.gather [hbm4b:s4+s15], $0x80, s13, s15, $0xb8;
	[tilespmem:$0x1E800] =	vst v63  }
0x1f: {  	s24 =	simm.s32 $0x14080  }
0x20: {  	[tilespmem:s17], [sflag:$0x2] =	stream.indirect.gather [hbm4b:s4+s15], $0x80, s24, s15, $0xb8;
	[tilespmem:$0x1E800] =	vst v63  }
0x21: {  	_ =	swait.ge [sflag:s18], $0x4000  }
0x22: {  	[sflag:s18] =	ssyncset.done $0x0  }
0x23: {  	s29 =	simm.s32 $0x15400;
	[sflag:s18] =	ssyncadd.s32 $0xFFFFC000  }
0x24: {  	[spmem:s2] =	stream.indirect.scatter.add.f32 [tilespmem:s16], [sflag:$0x3], $0x80, s29, s15, $0xb8;
	[tilespmem:$0x1E800] =	vst v63  }
0x25: {  	_ =	swait.ge [sflag:s12], $0x4000  }
0x26: {  	[sflag:s12] =	ssyncset.done $0x0  }
0x27: {  	s30 =	simm.s32 $0x14100;
	[sflag:s12] =	ssyncadd.s32 $0xFFFFC000  }
0x28: {  	[tilespmem:s16], [sflag:$0x1] =	stream.indirect.gather [hbm4b:s4+s15], $0x80, s30, s15, $0xb8;
	[tilespmem:$0x1E800] =	vst v63  }
0x29: {  	_ =	swait.ge [sflag:s19], $0x4000  }
0x2a: {  	[sflag:s19] =	ssyncset.done $0x0  }
0x2b: {  	s31 =	simm.s32 $0x15480;
	[sflag:s19] =	ssyncadd.s32 $0xFFFFC000  }
0x2c: {  	[spmem:s2] =	stream.indirect.scatter.add.f32 [tilespmem:s17], [sflag:$0x3], $0x80, s31, s15, $0xb8;
	[tilespmem:$0x1E800] =	vst v63  }
0x2d: {  	_ =	swait.ge [sflag:s12], $0x4000  }
0x2e: {  	s25 =	simm.s32 $0x800;
	s24 =	simm.s32 $0x100;
	[sflag:s12] =	ssyncset.done $0x0  }
.LBB2_2:
0x2f: {  	s26 =	sadd.s32 $0x14080, s24  }
0x30: {  	[sflag:s12] =	ssyncadd.s32 $0xFFFFC000;
	s28 =	smov.u32 s25;
	s29 =	sadd.s32 $0x400, s25  }
0x31: {  	[tilespmem:s17], [sflag:$0x2] =	stream.indirect.gather [hbm4b:s4+s15], $0x80, s26, s15, $0xb8;
	[tilespmem:$0x1E800] =	vst v63  }
0x32: {  	p0 =	sne.s32 s25, $0x4800;
	_ =	swait.ge [sflag:s18], $0x4000  }
0x33: {  	[sflag:s18] =	ssyncset.done $0x0  }
0x34: {  	s25 =	sadd.s32 $0x15400, s24;
	[sflag:s18] =	ssyncadd.s32 $0xFFFFC000  }
0x35: {  	[spmem:s2] =	stream.indirect.scatter.add.f32 [tilespmem:s16], [sflag:$0x3], $0x80, s25, s15, $0xb8;
	[tilespmem:$0x1E800] =	vst v63  }
0x36: {  	_ =	swait.ge [sflag:s12], $0x4000  }
0x37: {  	[sflag:s12] =	ssyncset.done $0x0  }
0x38: {  	s25 =	sadd.s32 $0x14100, s24;
	[sflag:s12] =	ssyncadd.s32 $0xFFFFC000  }
0x39: {  	[tilespmem:s16], [sflag:$0x1] =	stream.indirect.gather [hbm4b:s4+s15], $0x80, s25, s15, $0xb8;
	[tilespmem:$0x1E800] =	vst v63  }
0x3a: {  	_ =	swait.ge [sflag:s19], $0x4000  }
.Ltmp0:
0x3b: {  	[sflag:s19] =	ssyncset.done $0x0;
	(pc) =	sbr.rel @p0 .LBB2_2-.Ltmp0, $4  }
0x3c: {  	s24 =	sadd.s32 $0x15480, s24;
	[sflag:s19] =	ssyncadd.s32 $0xFFFFC000  }
0x3d: {  	[spmem:s2] =	stream.indirect.scatter.add.f32 [tilespmem:s17], [sflag:$0x3], $0x80, s24, s15, $0xb8;
	[tilespmem:$0x1E800] =	vst v63  }
0x3e: {  	_ =	swait.ge [sflag:s12], $0x4000  }
0x3f: {  	s25 =	smov.u32 s29;
	s24 =	sshra.s32 s28, $0x2;
	[sflag:s12] =	ssyncset.done $0x0  }
0x40: {  	s25 =	sadd.s32 $0x14080, s24;
	[sflag:s12] =	ssyncadd.s32 $0xFFFFC000  }
0x41: {  	[tilespmem:s17], [sflag:$0x2] =	stream.indirect.gather [hbm4b:s4+s15], $0x80, s25, s15, $0xb8;
	[tilespmem:$0x1E800] =	vst v63  }
0x42: {  	_ =	swait.ge [sflag:s18], $0x4000  }
0x43: {  	[sflag:s18] =	ssyncset.done $0x0  }
0x44: {  	s29 =	sadd.s32 $0x15400, s24;
	[sflag:s18] =	ssyncadd.s32 $0xFFFFC000  }
0x45: {  	[spmem:s2] =	stream.indirect.scatter.add.f32 [tilespmem:s16], [sflag:$0x3], $0x80, s29, s15, $0xb8;
	[tilespmem:$0x1E800] =	vst v63  }
0x46: {  	_ =	swait.ge [sflag:s12], $0x4000  }
0x47: {  	[sflag:s12] =	ssyncset.done $0x0  }
0x48: {  	s30 =	sadd.s32 $0x14100, s24;
	[sflag:s12] =	ssyncadd.s32 $0xFFFFC000  }
0x49: {  	[tilespmem:s16], [sflag:$0x1] =	stream.indirect.gather [hbm4b:s4+s15], $0x80, s30, s15, $0xb8;
	[tilespmem:$0x1E800] =	vst v63  }
0x4a: {  	_ =	swait.ge [sflag:s19], $0x4000  }
0x4b: {  	[sflag:s19] =	ssyncset.done $0x0  }
0x4c: {  	s31 =	sadd.s32 $0x15480, s24;
	[sflag:s19] =	ssyncadd.s32 $0xFFFFC000  }
0x4d: {  	[spmem:s2] =	stream.indirect.scatter.add.f32 [tilespmem:s17], [sflag:$0x3], $0x80, s31, s15, $0xb8;
	[tilespmem:$0x1E800] =	vst v63  }
0x4e: {  	_ =	swait.ge [sflag:s12], $0x4000  }
0x4f: {  	[sflag:s12] =	ssyncset.done $0x0  }
0x50: {  	[sflag:s12] =	ssyncadd.s32 $0xFFFFC000  }
0x51: {  	[tilespmem:s17], [sflag:$0x2] =	stream.indirect.gather [hbm4b:s4+s15], $0x80, s20, s15, $0xb8;
	[tilespmem:$0x1E800] =	vst v63  }
0x52: {  	_ =	swait.ge [sflag:s18], $0x4000  }
0x53: {  	[sflag:s18] =	ssyncset.done $0x0  }
0x54: {  	[sflag:s18] =	ssyncadd.s32 $0xFFFFC000  }
0x55: {  	[spmem:s2] =	stream.indirect.scatter.add.f32 [tilespmem:s16], [sflag:$0x3], $0x80, s21, s15, $0xb8;
	[tilespmem:$0x1E800] =	vst v63  }
0x56: {  	_ =	swait.ge [sflag:s12], $0x4000  }
0x57: {  	[sflag:s12] =	ssyncset.done $0x0  }
0x58: {  	[sflag:s12] =	ssyncadd.s32 $0xFFFFC000  }
0x59: {  	_ =	swait.ge [sflag:s19], $0x4000  }
0x5a: {  	[sflag:s19] =	ssyncset.done $0x0  }
0x5b: {  	[sflag:s19] =	ssyncadd.s32 $0xFFFFC000  }
0x5c: {  	[spmem:s2] =	stream.indirect.scatter.add.f32 [tilespmem:s17], [sflag:$0x3], $0x80, s22, s15, $0xb8;
	[tilespmem:$0x1E800] =	vst v63  }
0x5d: {  	_ =	swait.ge [sflag:s12], $0x4000  }
0x5e: {  	s23 =	sadd.s32 $0x1, s23;
	[sflag:s12] =	ssyncset.done $0x0  }
0x5f: {  	p0 =	sne.s32 s23, s10;
	[sflag:s12] =	ssyncadd.s32 $0xFFFFC000  }
.Ltmp1:
0x60: {  	[bflag:$0x0] =	sbarrier.arrive $0xFFFF;
	(pc) =	sbr.rel @p0 .LBB2_1-.Ltmp1, $4  }
0x61: {  	[hbm:s9], [sflag:s6] =	dma.local [spmem:s11], $0x2800  }
0x62: {  	_ =	swait.ge [sflag:s12], $0x2800  }
0x63: {  	[sflag:s12] =	ssyncset.done $0x0  }
0x64: {  	[sflag:s12] =	ssyncadd.s32 $0xFFFFD800  }
0x65: {  	_ =	sfence.sel $0x180000  }
0x66: {  	[bflag:$0x0] =	sbarrier.arrive $0xFFFF  }
0x67: {  	p0 =	sne.s32 s0, $0x0;
	_ =	strace $0x90000050  }
0x68: {  	s0 =	sadd.s32 @!p0 $0x100000, s1;
	[bflag:$0x2] =	sbarrier.arrive $0xFFFF  }
0x69: {  	[sflag:s0] =	ssyncadd.tile.s32 @!p0 $0x1;
	_ =	shalt  }
.Lfunc_end2:
_tile_overlayer_lowered:
.L_overlay_start_2:
0x6a: {  	(tag) =	ssettag $0x2  }
0x6b: {  	s0 =	rddreg [dreg:$0x0];
	s2 =	stileid.u32  }
0x6c: {  	s1 =	rddreg [dreg:$0x1];
	p0 =	sne.s32 s2, $0x0  }
0x6d: {  	s3 =	rddreg [dreg:$0x2];
	[bflag:$0x3] =	sbarrier.arrive $0xFFFF;
	s2 =	simm.s32 @!p0 $0x1C03  }
0x6e: {  	[timem:s3], [sflag:s2] =	dma.local @!p0 [hbm:s0], s1  }
0x6f: {  	s0 =	simm.s32 @!p0 $0x3  }
0x70: {  	_ =	swait.ge @!p0 [sflag:s0], s1  }
0x71: {  	s1 =	ssub.s32 @!p0 $0x0, s1;
	[sflag:s0] =	ssyncset.done @!p0 $0x0  }
0x72: {  	[sflag:s0] =	ssyncadd.s32 @!p0 s1  }
0x73: {  	[bflag:$0x3] =	sbarrier.arrive $0xFFFF  }
0x74: {  	_ =	shalt  }

</sc_bundles>
